<compile_context>
chip_gen: v7x
topology: tpu7x:2x2x1
jax: 0.10.2.dev20260603
libtpu: 0.0.44.dev20260713+nightly
codegen_flags: <defaults>
</compile_context>

<pallas_src>
import functools

import jax
import jax.numpy as jnp
from jax import lax
from jax.experimental import pallas as pl
from jax.experimental.pallas import tpu as pltpu
from jax.experimental.pallas import tpu_sc as plsc

N = 10000
E = 320000
D = 128
H = 128
C = 40

NP = 10240
NW = 32
CH = 128
NBUF = 2
NPH = 2
NCHUNK = 80
NCP = NCHUNK // NPH
TILE_E = NCHUNK * CH
EP = NW * TILE_E
STRIPE = NP // 16

_mesh = plsc.VectorSubcoreMesh(core_axis_name="c", subcore_axis_name="s",
                               num_cores=2, num_subcores=16)



@functools.partial(
    pl.kernel,
    out_type=jax.ShapeDtypeStruct((2, NP, D), jnp.float32),
    mesh=_mesh,
    scratch_types=[
        pltpu.VMEM((NCHUNK, CH), jnp.int32),
        pltpu.VMEM((CH, D), jnp.float32),
        pltpu.VMEM_SHARED((NP, D), jnp.float32),
    ],
)
def _sc_hist(dst_hbm, ones_hbm, zeros_hbm, out_hbm, idx_v, ones_v, acc):
    c = lax.axis_index("c")
    s = lax.axis_index("s")
    wid = s * 2 + c
    pltpu.sync_copy(zeros_hbm.at[pl.ds(s * STRIPE, STRIPE)],
                    acc.at[pl.ds(s * STRIPE, STRIPE)])
    pltpu.sync_copy(ones_hbm, ones_v)
    pltpu.sync_copy(dst_hbm.at[wid], idx_v)
    plsc.subcore_barrier()

    def body(j, carry):
        pltpu.sync_copy(ones_v, acc.at[idx_v.at[j]], add=True)
        return carry

    lax.fori_loop(0, NCHUNK, body, 0)
    plsc.subcore_barrier()
    pltpu.sync_copy(acc.at[pl.ds(s * STRIPE, STRIPE)],
                    out_hbm.at[c, pl.ds(s * STRIPE, STRIPE)])


@functools.partial(
    pl.kernel,
    out_type=jax.ShapeDtypeStruct((2, NP, D), jnp.float32),
    mesh=_mesh,
    scratch_types=[
        pltpu.VMEM((NCP, CH), jnp.int32),
        pltpu.VMEM((NCP, CH), jnp.int32),
        pltpu.VMEM((NBUF, CH, D), jnp.float32),
        pltpu.VMEM_SHARED((NP, D), jnp.float32),
        pltpu.SemaphoreType.DMA,
        pltpu.SemaphoreType.DMA,
    ],
)
def _sc_edge_scatter(y_hbm, src_hbm, dst_hbm, zeros_hbm, out_hbm,
                     src_v, dst_v, rows_v, acc, sem0, sem1):
    c = lax.axis_index("c")
    s = lax.axis_index("s")
    wid = s * 2 + c
    sems = (sem0, sem1)
    pltpu.sync_copy(zeros_hbm.at[pl.ds(s * STRIPE, STRIPE)],
                    acc.at[pl.ds(s * STRIPE, STRIPE)])
    plsc.subcore_barrier()

    for p in range(NPH):
        pltpu.sync_copy(src_hbm.at[wid, pl.ds(p * NCP, NCP)], src_v)
        pltpu.sync_copy(dst_hbm.at[wid, pl.ds(p * NCP, NCP)], dst_v)

        for b in range(NBUF):
            pltpu.async_copy(y_hbm.at[src_v.at[b]], rows_v.at[b], sems[b])

        def body(i, carry):
            j2 = i * NBUF
            for b in range(NBUF):
                j = j2 + b
                pltpu.make_async_copy(y_hbm.at[src_v.at[j]],
                                      rows_v.at[b], sems[b]).wait()
                pltpu.sync_copy(rows_v.at[b], acc.at[dst_v.at[j]], add=True)

                @pl.when(j + NBUF < NCP)
                def _():
                    pltpu.async_copy(y_hbm.at[src_v.at[j + NBUF]],
                                     rows_v.at[b], sems[b])
            return carry

        lax.fori_loop(0, NCP // NBUF, body, 0)
    plsc.subcore_barrier()
    pltpu.sync_copy(acc.at[pl.ds(s * STRIPE, STRIPE)],
                    out_hbm.at[c, pl.ds(s * STRIPE, STRIPE)])



BM = 512


def _dinv_from_hist(hist_blk):
    deg = hist_blk[0, :, 0:1] + hist_blk[1, :, 0:1] + 1.0
    return lax.rsqrt(deg)


def _mm1_body(hist_ref, x_ref, w_ref, o_ref):
    dinv = _dinv_from_hist(hist_ref[...])
    o_ref[...] = jnp.dot(x_ref[...], w_ref[...],
                         preferred_element_type=jnp.float32) * dinv


def _mm2_body(hist_ref, p_ref, y_ref, b_ref, w_ref, o_ref):
    dinv = _dinv_from_hist(hist_ref[...])
    p = p_ref[...]
    a = jnp.maximum((p[0] + p[1] + y_ref[...]) * dinv + b_ref[...], 0.0)
    o_ref[...] = jnp.dot(a, w_ref[...],
                         preferred_element_type=jnp.float32) * dinv


def _mm3_body(hist_ref, q_ref, y_ref, b_ref, wl_ref, bl_ref, h_ref, z_ref):
    dinv = _dinv_from_hist(hist_ref[...])
    q = q_ref[...]
    h = jnp.maximum((q[0] + q[1] + y_ref[...]) * dinv + b_ref[...], 0.0)
    h_ref[...] = h
    z_ref[...] = jnp.dot(h, wl_ref[...],
                         preferred_element_type=jnp.float32) + bl_ref[...]


_hist_spec = pl.BlockSpec((2, BM, D), lambda i: (0, i, 0))
_row_spec = pl.BlockSpec((BM, D), lambda i: (i, 0))
_pair_spec = pl.BlockSpec((2, BM, D), lambda i: (0, i, 0))
_w_spec = pl.BlockSpec((D, D), lambda i: (0, 0))
_b_spec = pl.BlockSpec((1, D), lambda i: (0, 0))
_grid = (NP // BM,)

_mm1 = pl.pallas_call(
    _mm1_body,
    grid=_grid,
    in_specs=[_hist_spec, _row_spec, _w_spec],
    out_specs=_row_spec,
    out_shape=jax.ShapeDtypeStruct((NP, D), jnp.float32),
)

_mm2 = pl.pallas_call(
    _mm2_body,
    grid=_grid,
    in_specs=[_hist_spec, _pair_spec, _row_spec, _b_spec, _w_spec],
    out_specs=_row_spec,
    out_shape=jax.ShapeDtypeStruct((NP, D), jnp.float32),
)

_mm3 = pl.pallas_call(
    _mm3_body,
    grid=_grid,
    in_specs=[_hist_spec, _pair_spec, _row_spec, _b_spec,
              pl.BlockSpec((D, C), lambda i: (0, 0)),
              pl.BlockSpec((1, C), lambda i: (0, 0))],
    out_specs=[_row_spec, pl.BlockSpec((BM, C), lambda i: (i, 0))],
    out_shape=[jax.ShapeDtypeStruct((NP, D), jnp.float32),
               jax.ShapeDtypeStruct((NP, C), jnp.float32)],
)



def kernel(x, edge_index, W1, b1, W2, b2, Wl, bl):
    src = edge_index[0]
    dst = edge_index[1]
    npad = EP - E
    pad_idx = (N + jnp.arange(npad, dtype=jnp.int32) % (NP - N))
    src_p = jnp.concatenate([src, pad_idx]).reshape(NW, NCHUNK, CH)
    dst_p = jnp.concatenate([dst, pad_idx]).reshape(NW, NCHUNK, CH)

    x_p = jnp.zeros((NP, D), jnp.float32).at[:N].set(x)
    zeros_nd = jnp.zeros((NP, D), jnp.float32)
    ones_ch = jnp.ones((CH, D), jnp.float32)

    hist = _sc_hist(dst_p, ones_ch, zeros_nd)

    y1 = _mm1(hist, x_p, W1)
    p1 = _sc_edge_scatter(y1, src_p, dst_p, zeros_nd)
    y2 = _mm2(hist, p1, y1, b1.reshape(1, H), W2)
    p2 = _sc_edge_scatter(y2, src_p, dst_p, zeros_nd)
    h_full, z_full = _mm3(hist, p2, y2, b2.reshape(1, H), Wl,
                          bl.reshape(1, C))

    return z_full[:N], h_full[:N]

# --- scband reference (transcript-rebuilt; emitter-appended) ---
"""Pipeline reference for scband-net1-22651657519480 (READ-ONLY COPY).

The authoritative reference and input builder live on the scoring server;
editing this copy changes nothing except your own understanding.
"""

import jax, jax.numpy as jnp
import numpy as np

N = 10000
E = 320000
D = 128
H = 128
C = 40


def setup_inputs(seed: int = 0) -> dict:
    key = jax.random.key(seed)
    ks = jax.random.split(key, 10)
    x = jax.random.normal(ks[0], (N, D), dtype=jnp.float32)
    edge_index = jax.random.randint(ks[1], (2, E), 0, N, dtype=jnp.int32)
    # GCNConv layer 1: D -> H
    W1 = jax.random.normal(ks[2], (D, H), dtype=jnp.float32) * (1.0 / np.sqrt(D))
    b1 = jnp.zeros((H,), dtype=jnp.float32)
    # GCNConv layer 2: H -> H
    W2 = jax.random.normal(ks[3], (H, H), dtype=jnp.float32) * (1.0 / np.sqrt(H))
    b2 = jnp.zeros((H,), dtype=jnp.float32)
    # Final linear: H -> C
    Wl = jax.random.normal(ks[4], (H, C), dtype=jnp.float32) * (1.0 / np.sqrt(H))
    bl = jnp.zeros((C,), dtype=jnp.float32)
    return {"x": x, "edge_index": edge_index, "W1": W1, "b1": b1, "W2": W2, "b2": b2, "Wl": Wl, "bl": bl}


def _gcn_conv(x, edge_index, W, b):
    # Standard GCNConv: add self-loops, symmetric normalization D^-1/2 A_hat D^-1/2 X W + b
    Nn = x.shape[0]
    loop = jnp.arange(Nn, dtype=edge_index.dtype)
    src = jnp.concatenate([edge_index[0], loop])
    dst = jnp.concatenate([edge_index[1], loop])
    deg = jax.ops.segment_sum(jnp.ones(src.shape[0], dtype=x.dtype), dst, num_segments=Nn)
    dinv = jnp.where(deg > 0, deg ** -0.5, 0.0)
    norm = dinv[src] * dinv[dst]
    h = x @ W
    msg = h[src] * norm[:, None]
    out = jax.ops.segment_sum(msg, dst, num_segments=Nn) + b
    return out


def reference(x, edge_index, W1, b1, W2, b2, Wl, bl):
    # Layer 1
    h = _gcn_conv(x, edge_index, W1, b1)
    h = jax.nn.relu(h)
    # dropout is identity in eval mode
    # Layer 2
    h = _gcn_conv(h, edge_index, W2, b2)
    h = jax.nn.relu(h)
    # Final linear head
    z = h @ Wl + bl
    return (z, h)

if __name__ == "__main__":
    import jax
    _d = setup_inputs()
    print(jax.jit(kernel)(*tuple(_d.values())))

</pallas_src>

<mosaic_0001>
#map = affine_map<(d0, d1) -> (0, 0, 0)>
#map1 = affine_map<(d0, d1) -> (0, 0)>
module attributes {stable_mosaic.version = 14 : i64} {
  func.func @_sc_hist(%arg0: i32, %arg1: i32, %arg2: memref<32x80x128xi32, #tpu.memory_space<hbm>>, %arg3: memref<128x128xf32, #tpu.memory_space<hbm>>, %arg4: memref<10240x128xf32, #tpu.memory_space<hbm>>, %arg5: memref<2x10240x128xf32, #tpu.memory_space<hbm>>, %arg6: memref<80x128xi32, #tpu.memory_space<vmem>>, %arg7: memref<128x128xf32, #tpu.memory_space<vmem>>, %arg8: memref<10240x128xf32, #tpu.memory_space<vmem_shared>>) attributes {dimension_semantics = [#tpu.dimension_semantics<core_parallel>, #tpu.dimension_semantics<subcore_parallel>], iteration_bounds = array<i64: 2, 16>, scalar_prefetch = 0 : i64, scratch_operands = 3 : i64, tpu.core_type = #tpu.core_type<sc_vector_subcore>, window_params = [{transform_indices = #map}, {transform_indices = #map1}, {transform_indices = #map1}, {transform_indices = #map}]} {
    %mul3A = arith.constant 2 : i32
    %mul3A_0 = arith.muli %arg1, %mul3A : i32
    %add3A = arith.addi %mul3A_0, %arg0 : i32
    %mul3A_1 = arith.constant 640 : i32
    %mul3A_2 = arith.muli %arg1, %mul3A_1 : i32
    %mul3A_3 = arith.constant 640 : i32
    %mul3A_4 = arith.muli %arg1, %mul3A_3 : i32
    "tpu.region"() ({
      %run_scoped3A = tpu.sem_alloc : memref<!tpu.dma_semaphore, #tpu.memory_space<semaphore_mem>>
      %dma_start3A = arith.constant 0 : i32
      %dma_start3A_15 = tpu.memref_slice %arg8[%mul3A_4, %dma_start3A] : memref<10240x128xf32, #tpu.memory_space<vmem_shared>> -> memref<640x128xf32, #tpu.memory_space<vmem_shared>>
      %dma_start3A_16 = arith.constant 0 : i32
      %dma_start3A_17 = tpu.memref_slice %arg4[%mul3A_2, %dma_start3A_16] : memref<10240x128xf32, #tpu.memory_space<hbm>> -> memref<640x128xf32, #tpu.memory_space<hbm>>
      tpu.enqueue_dma source(%dma_start3A_17 : memref<640x128xf32, #tpu.memory_space<hbm>>) target(%dma_start3A_15 : memref<640x128xf32, #tpu.memory_space<vmem_shared>>) target_semaphore(%run_scoped3A : memref<!tpu.dma_semaphore, #tpu.memory_space<semaphore_mem>>)
      %dma_wait3A = arith.constant 0 : i32
      %dma_wait3A_18 = tpu.memref_slice %arg8[%mul3A_4, %dma_wait3A] : memref<10240x128xf32, #tpu.memory_space<vmem_shared>> -> memref<640x128xf32, #tpu.memory_space<vmem_shared>>
      %dma_wait3A_19 = arith.constant 0 : i32
      %dma_wait3A_20 = tpu.memref_slice %arg4[%mul3A_2, %dma_wait3A_19] : memref<10240x128xf32, #tpu.memory_space<hbm>> -> memref<640x128xf32, #tpu.memory_space<hbm>>
      tpu.wait_dma2 semaphore(%run_scoped3A : memref<!tpu.dma_semaphore, #tpu.memory_space<semaphore_mem>>) src(%dma_wait3A_20 : memref<640x128xf32, #tpu.memory_space<hbm>>) dst(%dma_wait3A_18 : memref<640x128xf32, #tpu.memory_space<vmem_shared>>)
      tpu.yield
    }) : () -> ()
    "tpu.region"() ({
      %run_scoped3A = tpu.sem_alloc : memref<!tpu.dma_semaphore, #tpu.memory_space<semaphore_mem>>
      tpu.enqueue_dma source(%arg3 : memref<128x128xf32, #tpu.memory_space<hbm>>) target(%arg7 : memref<128x128xf32, #tpu.memory_space<vmem>>) target_semaphore(%run_scoped3A : memref<!tpu.dma_semaphore, #tpu.memory_space<semaphore_mem>>)
      tpu.wait_dma2 semaphore(%run_scoped3A : memref<!tpu.dma_semaphore, #tpu.memory_space<semaphore_mem>>) src(%arg3 : memref<128x128xf32, #tpu.memory_space<hbm>>) dst(%arg7 : memref<128x128xf32, #tpu.memory_space<vmem>>)
      tpu.yield
    }) : () -> ()
    "tpu.region"() ({
      %run_scoped3A = tpu.sem_alloc : memref<!tpu.dma_semaphore, #tpu.memory_space<semaphore_mem>>
      %dma_start3A = arith.constant 0 : i32
      %dma_start3A_15 = arith.constant 0 : i32
      %dma_start3A_16 = tpu.memref_slice %arg2[%add3A, %dma_start3A, %dma_start3A_15] : memref<32x80x128xi32, #tpu.memory_space<hbm>> -> memref<1x80x128xi32, #tpu.memory_space<hbm>>
      %dma_start3A_17 = tpu.memref_squeeze %dma_start3A_16 : memref<1x80x128xi32, #tpu.memory_space<hbm>> -> memref<80x128xi32, #tpu.memory_space<hbm>>
      %dma_start3A_18 = arith.constant 0 : i32
      %dma_start3A_19 = arith.constant 0 : i32
      %dma_start3A_20 = tpu.memref_slice %arg2[%add3A, %dma_start3A_18, %dma_start3A_19] : memref<32x80x128xi32, #tpu.memory_space<hbm>> -> memref<1x80x128xi32, #tpu.memory_space<hbm>>
      %dma_start3A_21 = tpu.memref_squeeze %dma_start3A_20 : memref<1x80x128xi32, #tpu.memory_space<hbm>> -> memref<80x128xi32, #tpu.memory_space<hbm>>
      tpu.enqueue_dma source(%dma_start3A_21 : memref<80x128xi32, #tpu.memory_space<hbm>>) target(%arg6 : memref<80x128xi32, #tpu.memory_space<vmem>>) target_semaphore(%run_scoped3A : memref<!tpu.dma_semaphore, #tpu.memory_space<semaphore_mem>>)
      %dma_wait3A = arith.constant 0 : i32
      %dma_wait3A_22 = arith.constant 0 : i32
      %dma_wait3A_23 = tpu.memref_slice %arg2[%add3A, %dma_wait3A, %dma_wait3A_22] : memref<32x80x128xi32, #tpu.memory_space<hbm>> -> memref<1x80x128xi32, #tpu.memory_space<hbm>>
      %dma_wait3A_24 = tpu.memref_squeeze %dma_wait3A_23 : memref<1x80x128xi32, #tpu.memory_space<hbm>> -> memref<80x128xi32, #tpu.memory_space<hbm>>
      %dma_wait3A_25 = arith.constant 0 : i32
      %dma_wait3A_26 = arith.constant 0 : i32
      %dma_wait3A_27 = tpu.memref_slice %arg2[%add3A, %dma_wait3A_25, %dma_wait3A_26] : memref<32x80x128xi32, #tpu.memory_space<hbm>> -> memref<1x80x128xi32, #tpu.memory_space<hbm>>
      %dma_wait3A_28 = tpu.memref_squeeze %dma_wait3A_27 : memref<1x80x128xi32, #tpu.memory_space<hbm>> -> memref<80x128xi32, #tpu.memory_space<hbm>>
      tpu.wait_dma2 semaphore(%run_scoped3A : memref<!tpu.dma_semaphore, #tpu.memory_space<semaphore_mem>>) src(%dma_wait3A_28 : memref<80x128xi32, #tpu.memory_space<hbm>>) dst(%arg6 : memref<80x128xi32, #tpu.memory_space<vmem>>)
      tpu.yield
    }) : () -> ()
    %barrier3A = arith.constant 0 : index
    tpu.barrier barrier_id(%barrier3A)
    %scan3A = arith.constant 0 : i32
    %scan3A_5 = arith.constant 0 : i32
    %scan3A_6 = arith.constant 80 : i32
    %scan3A_7 = arith.addi %scan3A_5, %scan3A_6 : i32
    %scan3A_8 = arith.constant 1 : i32
    scf.for %scan3A_15 = %scan3A_5 to %scan3A_7 step %scan3A_8  : i32 {
      "tpu.region"() ({
        %run_scoped3A = tpu.sem_alloc : memref<!tpu.dma_semaphore, #tpu.memory_space<semaphore_mem>>
        %dma_start3A = arith.constant 0 : i32
        %dma_start3A_16 = tpu.memref_slice %arg6[%scan3A_15, %dma_start3A] : memref<80x128xi32, #tpu.memory_space<vmem>> -> memref<1x128xi32, #tpu.memory_space<vmem>>
        %dma_start3A_17 = tpu.memref_squeeze %dma_start3A_16 : memref<1x128xi32, #tpu.memory_space<vmem>> -> memref<128xi32, #tpu.memory_space<vmem>>
        %dma_start3A_18 = arith.constant 0 : i32
        %dma_start3A_19 = arith.constant 0 : i32
        %dma_start3A_20 = tpu.memref_slice %arg8[%dma_start3A_18, %dma_start3A_19] : memref<10240x128xf32, #tpu.memory_space<vmem_shared>> -> memref<10240x128xf32, #tpu.memory_space<vmem_shared>>
        tpu.enqueue_indirect_dma source(%arg7 : memref<128x128xf32, #tpu.memory_space<vmem>>) target(%dma_start3A_20 : memref<10240x128xf32, #tpu.memory_space<vmem_shared>>) offsets(%dma_start3A_17 : memref<128xi32, #tpu.memory_space<vmem>>) semaphore(%run_scoped3A : memref<!tpu.dma_semaphore, #tpu.memory_space<semaphore_mem>>) {add = true}
        %dma_wait3A = arith.constant 0 : i32
        %dma_wait3A_21 = tpu.memref_slice %arg6[%scan3A_15, %dma_wait3A] : memref<80x128xi32, #tpu.memory_space<vmem>> -> memref<1x128xi32, #tpu.memory_space<vmem>>
        %dma_wait3A_22 = tpu.memref_squeeze %dma_wait3A_21 : memref<1x128xi32, #tpu.memory_space<vmem>> -> memref<128xi32, #tpu.memory_space<vmem>>
        %dma_wait3A_23 = arith.constant 0 : i32
        %dma_wait3A_24 = arith.constant 0 : i32
        %dma_wait3A_25 = tpu.memref_slice %arg8[%dma_wait3A_23, %dma_wait3A_24] : memref<10240x128xf32, #tpu.memory_space<vmem_shared>> -> memref<10240x128xf32, #tpu.memory_space<vmem_shared>>
        tpu.wait_indirect_dma semaphore(%run_scoped3A : memref<!tpu.dma_semaphore, #tpu.memory_space<semaphore_mem>>) src(%arg7 : memref<128x128xf32, #tpu.memory_space<vmem>>) dst(%dma_wait3A_25 : memref<10240x128xf32, #tpu.memory_space<vmem_shared>>)
        tpu.yield
      }) : () -> ()
    }
    %scan3A_9 = arith.constant 80 : i32
    %barrier3A_10 = arith.constant 0 : index
    tpu.barrier barrier_id(%barrier3A_10)
    %mul3A_11 = arith.constant 640 : i32
    %mul3A_12 = arith.muli %arg1, %mul3A_11 : i32
    %mul3A_13 = arith.constant 640 : i32
    %mul3A_14 = arith.muli %arg1, %mul3A_13 : i32
    "tpu.region"() ({
      %run_scoped3A = tpu.sem_alloc : memref<!tpu.dma_semaphore, #tpu.memory_space<semaphore_mem>>
      %dma_start3A = arith.constant 0 : i32
      %dma_start3A_15 = tpu.memref_slice %arg5[%arg0, %mul3A_14, %dma_start3A] : memref<2x10240x128xf32, #tpu.memory_space<hbm>> -> memref<1x640x128xf32, #tpu.memory_space<hbm>>
      %dma_start3A_16 = tpu.memref_squeeze %dma_start3A_15 : memref<1x640x128xf32, #tpu.memory_space<hbm>> -> memref<640x128xf32, #tpu.memory_space<hbm>>
      %dma_start3A_17 = arith.constant 0 : i32
      %dma_start3A_18 = tpu.memref_slice %arg8[%mul3A_12, %dma_start3A_17] : memref<10240x128xf32, #tpu.memory_space<vmem_shared>> -> memref<640x128xf32, #tpu.memory_space<vmem_shared>>
      tpu.enqueue_dma source(%dma_start3A_18 : memref<640x128xf32, #tpu.memory_space<vmem_shared>>) target(%dma_start3A_16 : memref<640x128xf32, #tpu.memory_space<hbm>>) target_semaphore(%run_scoped3A : memref<!tpu.dma_semaphore, #tpu.memory_space<semaphore_mem>>)
      %dma_wait3A = arith.constant 0 : i32
      %dma_wait3A_19 = tpu.memref_slice %arg5[%arg0, %mul3A_14, %dma_wait3A] : memref<2x10240x128xf32, #tpu.memory_space<hbm>> -> memref<1x640x128xf32, #tpu.memory_space<hbm>>
      %dma_wait3A_20 = tpu.memref_squeeze %dma_wait3A_19 : memref<1x640x128xf32, #tpu.memory_space<hbm>> -> memref<640x128xf32, #tpu.memory_space<hbm>>
      %dma_wait3A_21 = arith.constant 0 : i32
      %dma_wait3A_22 = tpu.memref_slice %arg8[%mul3A_12, %dma_wait3A_21] : memref<10240x128xf32, #tpu.memory_space<vmem_shared>> -> memref<640x128xf32, #tpu.memory_space<vmem_shared>>
      tpu.wait_dma2 semaphore(%run_scoped3A : memref<!tpu.dma_semaphore, #tpu.memory_space<semaphore_mem>>) src(%dma_wait3A_22 : memref<640x128xf32, #tpu.memory_space<vmem_shared>>) dst(%dma_wait3A_20 : memref<640x128xf32, #tpu.memory_space<hbm>>)
      tpu.yield
    }) : () -> ()
    return
  }
}

#map = affine_map<(d0, d1) -> (0, 0)>
#map1 = affine_map<(d0, d1) -> (0, 0, 0)>
module attributes {stable_mosaic.version = 14 : i64} {
  func.func @_sc_edge_scatter(%arg0: i32, %arg1: i32, %arg2: memref<10240x128xf32, #tpu.memory_space<hbm>>, %arg3: memref<32x80x128xi32, #tpu.memory_space<hbm>>, %arg4: memref<32x80x128xi32, #tpu.memory_space<hbm>>, %arg5: memref<10240x128xf32, #tpu.memory_space<hbm>>, %arg6: memref<2x10240x128xf32, #tpu.memory_space<hbm>>, %arg7: memref<40x128xi32, #tpu.memory_space<vmem>>, %arg8: memref<40x128xi32, #tpu.memory_space<vmem>>, %arg9: memref<2x128x128xf32, #tpu.memory_space<vmem>>, %arg10: memref<10240x128xf32, #tpu.memory_space<vmem_shared>>, %arg11: memref<!tpu.dma_semaphore, #tpu.memory_space<semaphore_mem>>, %arg12: memref<!tpu.dma_semaphore, #tpu.memory_space<semaphore_mem>>) attributes {dimension_semantics = [#tpu.dimension_semantics<core_parallel>, #tpu.dimension_semantics<subcore_parallel>], iteration_bounds = array<i64: 2, 16>, scalar_prefetch = 0 : i64, scratch_operands = 6 : i64, tpu.core_type = #tpu.core_type<sc_vector_subcore>, window_params = [{transform_indices = #map}, {transform_indices = #map1}, {transform_indices = #map1}, {transform_indices = #map}, {transform_indices = #map1}]} {
    %mul3A = arith.constant 2 : i32
    %mul3A_0 = arith.muli %arg1, %mul3A : i32
    %add3A = arith.addi %mul3A_0, %arg0 : i32
    %mul3A_1 = arith.constant 640 : i32
    %mul3A_2 = arith.muli %arg1, %mul3A_1 : i32
    %mul3A_3 = arith.constant 640 : i32
    %mul3A_4 = arith.muli %arg1, %mul3A_3 : i32
    "tpu.region"() ({
      %run_scoped3A = tpu.sem_alloc : memref<!tpu.dma_semaphore, #tpu.memory_space<semaphore_mem>>
      %dma_start3A_68 = arith.constant 0 : i32
      %dma_start3A_69 = tpu.memref_slice %arg10[%mul3A_4, %dma_start3A_68] : memref<10240x128xf32, #tpu.memory_space<vmem_shared>> -> memref<640x128xf32, #tpu.memory_space<vmem_shared>>
      %dma_start3A_70 = arith.constant 0 : i32
      %dma_start3A_71 = tpu.memref_slice %arg5[%mul3A_2, %dma_start3A_70] : memref<10240x128xf32, #tpu.memory_space<hbm>> -> memref<640x128xf32, #tpu.memory_space<hbm>>
      tpu.enqueue_dma source(%dma_start3A_71 : memref<640x128xf32, #tpu.memory_space<hbm>>) target(%dma_start3A_69 : memref<640x128xf32, #tpu.memory_space<vmem_shared>>) target_semaphore(%run_scoped3A : memref<!tpu.dma_semaphore, #tpu.memory_space<semaphore_mem>>)
      %dma_wait3A = arith.constant 0 : i32
      %dma_wait3A_72 = tpu.memref_slice %arg10[%mul3A_4, %dma_wait3A] : memref<10240x128xf32, #tpu.memory_space<vmem_shared>> -> memref<640x128xf32, #tpu.memory_space<vmem_shared>>
      %dma_wait3A_73 = arith.constant 0 : i32
      %dma_wait3A_74 = tpu.memref_slice %arg5[%mul3A_2, %dma_wait3A_73] : memref<10240x128xf32, #tpu.memory_space<hbm>> -> memref<640x128xf32, #tpu.memory_space<hbm>>
      tpu.wait_dma2 semaphore(%run_scoped3A : memref<!tpu.dma_semaphore, #tpu.memory_space<semaphore_mem>>) src(%dma_wait3A_74 : memref<640x128xf32, #tpu.memory_space<hbm>>) dst(%dma_wait3A_72 : memref<640x128xf32, #tpu.memory_space<vmem_shared>>)
      tpu.yield
    }) : () -> ()
    %barrier3A = arith.constant 0 : index
    tpu.barrier barrier_id(%barrier3A)
    "tpu.region"() ({
      %run_scoped3A = tpu.sem_alloc : memref<!tpu.dma_semaphore, #tpu.memory_space<semaphore_mem>>
      %dma_start3A_68 = arith.constant 0 : i32
      %dma_start3A_69 = arith.constant 0 : i32
      %dma_start3A_70 = tpu.memref_slice %arg3[%add3A, %dma_start3A_68, %dma_start3A_69] : memref<32x80x128xi32, #tpu.memory_space<hbm>> -> memref<1x40x128xi32, #tpu.memory_space<hbm>>
      %dma_start3A_71 = tpu.memref_squeeze %dma_start3A_70 : memref<1x40x128xi32, #tpu.memory_space<hbm>> -> memref<40x128xi32, #tpu.memory_space<hbm>>
      %dma_start3A_72 = arith.constant 0 : i32
      %dma_start3A_73 = arith.constant 0 : i32
      %dma_start3A_74 = tpu.memref_slice %arg3[%add3A, %dma_start3A_72, %dma_start3A_73] : memref<32x80x128xi32, #tpu.memory_space<hbm>> -> memref<1x40x128xi32, #tpu.memory_space<hbm>>
      %dma_start3A_75 = tpu.memref_squeeze %dma_start3A_74 : memref<1x40x128xi32, #tpu.memory_space<hbm>> -> memref<40x128xi32, #tpu.memory_space<hbm>>
      tpu.enqueue_dma source(%dma_start3A_75 : memref<40x128xi32, #tpu.memory_space<hbm>>) target(%arg7 : memref<40x128xi32, #tpu.memory_space<vmem>>) target_semaphore(%run_scoped3A : memref<!tpu.dma_semaphore, #tpu.memory_space<semaphore_mem>>)
      %dma_wait3A = arith.constant 0 : i32
      %dma_wait3A_76 = arith.constant 0 : i32
      %dma_wait3A_77 = tpu.memref_slice %arg3[%add3A, %dma_wait3A, %dma_wait3A_76] : memref<32x80x128xi32, #tpu.memory_space<hbm>> -> memref<1x40x128xi32, #tpu.memory_space<hbm>>
      %dma_wait3A_78 = tpu.memref_squeeze %dma_wait3A_77 : memref<1x40x128xi32, #tpu.memory_space<hbm>> -> memref<40x128xi32, #tpu.memory_space<hbm>>
      %dma_wait3A_79 = arith.constant 0 : i32
      %dma_wait3A_80 = arith.constant 0 : i32
      %dma_wait3A_81 = tpu.memref_slice %arg3[%add3A, %dma_wait3A_79, %dma_wait3A_80] : memref<32x80x128xi32, #tpu.memory_space<hbm>> -> memref<1x40x128xi32, #tpu.memory_space<hbm>>
      %dma_wait3A_82 = tpu.memref_squeeze %dma_wait3A_81 : memref<1x40x128xi32, #tpu.memory_space<hbm>> -> memref<40x128xi32, #tpu.memory_space<hbm>>
      tpu.wait_dma2 semaphore(%run_scoped3A : memref<!tpu.dma_semaphore, #tpu.memory_space<semaphore_mem>>) src(%dma_wait3A_82 : memref<40x128xi32, #tpu.memory_space<hbm>>) dst(%arg7 : memref<40x128xi32, #tpu.memory_space<vmem>>)
      tpu.yield
    }) : () -> ()
    "tpu.region"() ({
      %run_scoped3A = tpu.sem_alloc : memref<!tpu.dma_semaphore, #tpu.memory_space<semaphore_mem>>
      %dma_start3A_68 = arith.constant 0 : i32
      %dma_start3A_69 = arith.constant 0 : i32
      %dma_start3A_70 = tpu.memref_slice %arg4[%add3A, %dma_start3A_68, %dma_start3A_69] : memref<32x80x128xi32, #tpu.memory_space<hbm>> -> memref<1x40x128xi32, #tpu.memory_space<hbm>>
      %dma_start3A_71 = tpu.memref_squeeze %dma_start3A_70 : memref<1x40x128xi32, #tpu.memory_space<hbm>> -> memref<40x128xi32, #tpu.memory_space<hbm>>
      %dma_start3A_72 = arith.constant 0 : i32
      %dma_start3A_73 = arith.constant 0 : i32
      %dma_start3A_74 = tpu.memref_slice %arg4[%add3A, %dma_start3A_72, %dma_start3A_73] : memref<32x80x128xi32, #tpu.memory_space<hbm>> -> memref<1x40x128xi32, #tpu.memory_space<hbm>>
      %dma_start3A_75 = tpu.memref_squeeze %dma_start3A_74 : memref<1x40x128xi32, #tpu.memory_space<hbm>> -> memref<40x128xi32, #tpu.memory_space<hbm>>
      tpu.enqueue_dma source(%dma_start3A_75 : memref<40x128xi32, #tpu.memory_space<hbm>>) target(%arg8 : memref<40x128xi32, #tpu.memory_space<vmem>>) target_semaphore(%run_scoped3A : memref<!tpu.dma_semaphore, #tpu.memory_space<semaphore_mem>>)
      %dma_wait3A = arith.constant 0 : i32
      %dma_wait3A_76 = arith.constant 0 : i32
      %dma_wait3A_77 = tpu.memref_slice %arg4[%add3A, %dma_wait3A, %dma_wait3A_76] : memref<32x80x128xi32, #tpu.memory_space<hbm>> -> memref<1x40x128xi32, #tpu.memory_space<hbm>>
      %dma_wait3A_78 = tpu.memref_squeeze %dma_wait3A_77 : memref<1x40x128xi32, #tpu.memory_space<hbm>> -> memref<40x128xi32, #tpu.memory_space<hbm>>
      %dma_wait3A_79 = arith.constant 0 : i32
      %dma_wait3A_80 = arith.constant 0 : i32
      %dma_wait3A_81 = tpu.memref_slice %arg4[%add3A, %dma_wait3A_79, %dma_wait3A_80] : memref<32x80x128xi32, #tpu.memory_space<hbm>> -> memref<1x40x128xi32, #tpu.memory_space<hbm>>
      %dma_wait3A_82 = tpu.memref_squeeze %dma_wait3A_81 : memref<1x40x128xi32, #tpu.memory_space<hbm>> -> memref<40x128xi32, #tpu.memory_space<hbm>>
      tpu.wait_dma2 semaphore(%run_scoped3A : memref<!tpu.dma_semaphore, #tpu.memory_space<semaphore_mem>>) src(%dma_wait3A_82 : memref<40x128xi32, #tpu.memory_space<hbm>>) dst(%arg8 : memref<40x128xi32, #tpu.memory_space<vmem>>)
      tpu.yield
    }) : () -> ()
    %dma_start3A = arith.constant 0 : i32
    %dma_start3A_5 = arith.constant 0 : i32
    %dma_start3A_6 = arith.constant 0 : i32
    %dma_start3A_7 = arith.constant 0 : i32
    %dma_start3A_8 = tpu.memref_slice %arg9[%dma_start3A_5, %dma_start3A_6, %dma_start3A_7] : memref<2x128x128xf32, #tpu.memory_space<vmem>> -> memref<1x128x128xf32, #tpu.memory_space<vmem>>
    %dma_start3A_9 = tpu.memref_squeeze %dma_start3A_8 : memref<1x128x128xf32, #tpu.memory_space<vmem>> -> memref<128x128xf32, #tpu.memory_space<vmem>>
    %dma_start3A_10 = arith.constant 0 : i32
    %dma_start3A_11 = tpu.memref_slice %arg7[%dma_start3A, %dma_start3A_10] : memref<40x128xi32, #tpu.memory_space<vmem>> -> memref<1x128xi32, #tpu.memory_space<vmem>>
    %dma_start3A_12 = tpu.memref_squeeze %dma_start3A_11 : memref<1x128xi32, #tpu.memory_space<vmem>> -> memref<128xi32, #tpu.memory_space<vmem>>
    %dma_start3A_13 = arith.constant 0 : i32
    %dma_start3A_14 = arith.constant 0 : i32
    %dma_start3A_15 = tpu.memref_slice %arg2[%dma_start3A_13, %dma_start3A_14] : memref<10240x128xf32, #tpu.memory_space<hbm>> -> memref<10240x128xf32, #tpu.memory_space<hbm>>
    tpu.enqueue_indirect_dma source(%dma_start3A_15 : memref<10240x128xf32, #tpu.memory_space<hbm>>) target(%dma_start3A_9 : memref<128x128xf32, #tpu.memory_space<vmem>>) offsets(%dma_start3A_12 : memref<128xi32, #tpu.memory_space<vmem>>) semaphore(%arg11 : memref<!tpu.dma_semaphore, #tpu.memory_space<semaphore_mem>>)
    %dma_start3A_16 = arith.constant 1 : i32
    %dma_start3A_17 = arith.constant 1 : i32
    %dma_start3A_18 = arith.constant 0 : i32
    %dma_start3A_19 = arith.constant 0 : i32
    %dma_start3A_20 = tpu.memref_slice %arg9[%dma_start3A_17, %dma_start3A_18, %dma_start3A_19] : memref<2x128x128xf32, #tpu.memory_space<vmem>> -> memref<1x128x128xf32, #tpu.memory_space<vmem>>
    %dma_start3A_21 = tpu.memref_squeeze %dma_start3A_20 : memref<1x128x128xf32, #tpu.memory_space<vmem>> -> memref<128x128xf32, #tpu.memory_space<vmem>>
    %dma_start3A_22 = arith.constant 0 : i32
    %dma_start3A_23 = tpu.memref_slice %arg7[%dma_start3A_16, %dma_start3A_22] : memref<40x128xi32, #tpu.memory_space<vmem>> -> memref<1x128xi32, #tpu.memory_space<vmem>>
    %dma_start3A_24 = tpu.memref_squeeze %dma_start3A_23 : memref<1x128xi32, #tpu.memory_space<vmem>> -> memref<128xi32, #tpu.memory_space<vmem>>
    %dma_start3A_25 = arith.constant 0 : i32
    %dma_start3A_26 = arith.constant 0 : i32
    %dma_start3A_27 = tpu.memref_slice %arg2[%dma_start3A_25, %dma_start3A_26] : memref<10240x128xf32, #tpu.memory_space<hbm>> -> memref<10240x128xf32, #tpu.memory_space<hbm>>
    tpu.enqueue_indirect_dma source(%dma_start3A_27 : memref<10240x128xf32, #tpu.memory_space<hbm>>) target(%dma_start3A_21 : memref<128x128xf32, #tpu.memory_space<vmem>>) offsets(%dma_start3A_24 : memref<128xi32, #tpu.memory_space<vmem>>) semaphore(%arg12 : memref<!tpu.dma_semaphore, #tpu.memory_space<semaphore_mem>>)
    %scan3A = arith.constant 0 : i32
    %scan3A_28 = arith.constant 0 : i32
    %scan3A_29 = arith.constant 20 : i32
    %scan3A_30 = arith.addi %scan3A_28, %scan3A_29 : i32
    %scan3A_31 = arith.constant 1 : i32
    scf.for %scan3A_68 = %scan3A_28 to %scan3A_30 step %scan3A_31  : i32 {
      %mul3A_69 = arith.constant 2 : i32
      %mul3A_70 = arith.muli %scan3A_68, %mul3A_69 : i32
      %add3A_71 = arith.constant 0 : i32
      %add3A_72 = arith.addi %mul3A_70, %add3A_71 : i32
      %dma_wait3A = arith.constant 0 : i32
      %dma_wait3A_73 = arith.constant 0 : i32
      %dma_wait3A_74 = arith.constant 0 : i32
      %dma_wait3A_75 = tpu.memref_slice %arg9[%dma_wait3A, %dma_wait3A_73, %dma_wait3A_74] : memref<2x128x128xf32, #tpu.memory_space<vmem>> -> memref<1x128x128xf32, #tpu.memory_space<vmem>>
      %dma_wait3A_76 = tpu.memref_squeeze %dma_wait3A_75 : memref<1x128x128xf32, #tpu.memory_space<vmem>> -> memref<128x128xf32, #tpu.memory_space<vmem>>
      %dma_wait3A_77 = arith.constant 0 : i32
      %dma_wait3A_78 = tpu.memref_slice %arg7[%add3A_72, %dma_wait3A_77] : memref<40x128xi32, #tpu.memory_space<vmem>> -> memref<1x128xi32, #tpu.memory_space<vmem>>
      %dma_wait3A_79 = tpu.memref_squeeze %dma_wait3A_78 : memref<1x128xi32, #tpu.memory_space<vmem>> -> memref<128xi32, #tpu.memory_space<vmem>>
      %dma_wait3A_80 = arith.constant 0 : i32
      %dma_wait3A_81 = arith.constant 0 : i32
      %dma_wait3A_82 = tpu.memref_slice %arg2[%dma_wait3A_80, %dma_wait3A_81] : memref<10240x128xf32, #tpu.memory_space<hbm>> -> memref<10240x128xf32, #tpu.memory_space<hbm>>
      tpu.wait_indirect_dma semaphore(%arg11 : memref<!tpu.dma_semaphore, #tpu.memory_space<semaphore_mem>>) src(%dma_wait3A_82 : memref<10240x128xf32, #tpu.memory_space<hbm>>) dst(%dma_wait3A_76 : memref<128x128xf32, #tpu.memory_space<vmem>>)
      %run_scoped3A = arith.constant 0 : i32
      "tpu.region"() ({
        %run_scoped3A_108 = tpu.sem_alloc : memref<!tpu.dma_semaphore, #tpu.memory_space<semaphore_mem>>
        %dma_start3A_109 = arith.constant 0 : i32
        %dma_start3A_110 = arith.constant 0 : i32
        %dma_start3A_111 = tpu.memref_slice %arg9[%run_scoped3A, %dma_start3A_109, %dma_start3A_110] : memref<2x128x128xf32, #tpu.memory_space<vmem>> -> memref<1x128x128xf32, #tpu.memory_space<vmem>>
        %dma_start3A_112 = tpu.memref_squeeze %dma_start3A_111 : memref<1x128x128xf32, #tpu.memory_space<vmem>> -> memref<128x128xf32, #tpu.memory_space<vmem>>
        %dma_start3A_113 = arith.constant 0 : i32
        %dma_start3A_114 = tpu.memref_slice %arg8[%add3A_72, %dma_start3A_113] : memref<40x128xi32, #tpu.memory_space<vmem>> -> memref<1x128xi32, #tpu.memory_space<vmem>>
        %dma_start3A_115 = tpu.memref_squeeze %dma_start3A_114 : memref<1x128xi32, #tpu.memory_space<vmem>> -> memref<128xi32, #tpu.memory_space<vmem>>
        %dma_start3A_116 = arith.constant 0 : i32
        %dma_start3A_117 = arith.constant 0 : i32
        %dma_start3A_118 = tpu.memref_slice %arg10[%dma_start3A_116, %dma_start3A_117] : memref<10240x128xf32, #tpu.memory_space<vmem_shared>> -> memref<10240x128xf32, #tpu.memory_space<vmem_shared>>
        tpu.enqueue_indirect_dma source(%dma_start3A_112 : memref<128x128xf32, #tpu.memory_space<vmem>>) target(%dma_start3A_118 : memref<10240x128xf32, #tpu.memory_space<vmem_shared>>) offsets(%dma_start3A_115 : memref<128xi32, #tpu.memory_space<vmem>>) semaphore(%run_scoped3A_108 : memref<!tpu.dma_semaphore, #tpu.memory_space<semaphore_mem>>) {add = true}
        %dma_wait3A_119 = arith.constant 0 : i32
        %dma_wait3A_120 = arith.constant 0 : i32
        %dma_wait3A_121 = tpu.memref_slice %arg9[%run_scoped3A, %dma_wait3A_119, %dma_wait3A_120] : memref<2x128x128xf32, #tpu.memory_space<vmem>> -> memref<1x128x128xf32, #tpu.memory_space<vmem>>
        %dma_wait3A_122 = tpu.memref_squeeze %dma_wait3A_121 : memref<1x128x128xf32, #tpu.memory_space<vmem>> -> memref<128x128xf32, #tpu.memory_space<vmem>>
        %dma_wait3A_123 = arith.constant 0 : i32
        %dma_wait3A_124 = tpu.memref_slice %arg8[%add3A_72, %dma_wait3A_123] : memref<40x128xi32, #tpu.memory_space<vmem>> -> memref<1x128xi32, #tpu.memory_space<vmem>>
        %dma_wait3A_125 = tpu.memref_squeeze %dma_wait3A_124 : memref<1x128xi32, #tpu.memory_space<vmem>> -> memref<128xi32, #tpu.memory_space<vmem>>
        %dma_wait3A_126 = arith.constant 0 : i32
        %dma_wait3A_127 = arith.constant 0 : i32
        %dma_wait3A_128 = tpu.memref_slice %arg10[%dma_wait3A_126, %dma_wait3A_127] : memref<10240x128xf32, #tpu.memory_space<vmem_shared>> -> memref<10240x128xf32, #tpu.memory_space<vmem_shared>>
        tpu.wait_indirect_dma semaphore(%run_scoped3A_108 : memref<!tpu.dma_semaphore, #tpu.memory_space<semaphore_mem>>) src(%dma_wait3A_122 : memref<128x128xf32, #tpu.memory_space<vmem>>) dst(%dma_wait3A_128 : memref<10240x128xf32, #tpu.memory_space<vmem_shared>>)
        tpu.yield
      }) : () -> ()
      %add3A_83 = arith.constant 2 : i32
      %add3A_84 = arith.addi %add3A_72, %add3A_83 : i32
      %lt3A = arith.constant 40 : i32
      %lt3A_85 = arith.cmpi slt, %add3A_84, %lt3A : i32
      %convert_element_type3A = arith.extui %lt3A_85 : i1 to i32
      %cond3A = arith.constant 0 : i32
      %cond3A_86 = arith.cmpi ne, %convert_element_type3A, %cond3A : i32
      scf.if %cond3A_86 {
        %add3A_108 = arith.constant 2 : i32
        %add3A_109 = arith.addi %add3A_72, %add3A_108 : i32
        %dma_start3A_110 = arith.constant 0 : i32
        %dma_start3A_111 = arith.constant 0 : i32
        %dma_start3A_112 = arith.constant 0 : i32
        %dma_start3A_113 = tpu.memref_slice %arg9[%dma_start3A_110, %dma_start3A_111, %dma_start3A_112] : memref<2x128x128xf32, #tpu.memory_space<vmem>> -> memref<1x128x128xf32, #tpu.memory_space<vmem>>
        %dma_start3A_114 = tpu.memref_squeeze %dma_start3A_113 : memref<1x128x128xf32, #tpu.memory_space<vmem>> -> memref<128x128xf32, #tpu.memory_space<vmem>>
        %dma_start3A_115 = arith.constant 0 : i32
        %dma_start3A_116 = tpu.memref_slice %arg7[%add3A_109, %dma_start3A_115] : memref<40x128xi32, #tpu.memory_space<vmem>> -> memref<1x128xi32, #tpu.memory_space<vmem>>
        %dma_start3A_117 = tpu.memref_squeeze %dma_start3A_116 : memref<1x128xi32, #tpu.memory_space<vmem>> -> memref<128xi32, #tpu.memory_space<vmem>>
        %dma_start3A_118 = arith.constant 0 : i32
        %dma_start3A_119 = arith.constant 0 : i32
        %dma_start3A_120 = tpu.memref_slice %arg2[%dma_start3A_118, %dma_start3A_119] : memref<10240x128xf32, #tpu.memory_space<hbm>> -> memref<10240x128xf32, #tpu.memory_space<hbm>>
        tpu.enqueue_indirect_dma source(%dma_start3A_120 : memref<10240x128xf32, #tpu.memory_space<hbm>>) target(%dma_start3A_114 : memref<128x128xf32, #tpu.memory_space<vmem>>) offsets(%dma_start3A_117 : memref<128xi32, #tpu.memory_space<vmem>>) semaphore(%arg11 : memref<!tpu.dma_semaphore, #tpu.memory_space<semaphore_mem>>)
      } else {
      }
      %add3A_87 = arith.constant 1 : i32
      %add3A_88 = arith.addi %mul3A_70, %add3A_87 : i32
      %dma_wait3A_89 = arith.constant 1 : i32
      %dma_wait3A_90 = arith.constant 0 : i32
      %dma_wait3A_91 = arith.constant 0 : i32
      %dma_wait3A_92 = tpu.memref_slice %arg9[%dma_wait3A_89, %dma_wait3A_90, %dma_wait3A_91] : memref<2x128x128xf32, #tpu.memory_space<vmem>> -> memref<1x128x128xf32, #tpu.memory_space<vmem>>
      %dma_wait3A_93 = tpu.memref_squeeze %dma_wait3A_92 : memref<1x128x128xf32, #tpu.memory_space<vmem>> -> memref<128x128xf32, #tpu.memory_space<vmem>>
      %dma_wait3A_94 = arith.constant 0 : i32
      %dma_wait3A_95 = tpu.memref_slice %arg7[%add3A_88, %dma_wait3A_94] : memref<40x128xi32, #tpu.memory_space<vmem>> -> memref<1x128xi32, #tpu.memory_space<vmem>>
      %dma_wait3A_96 = tpu.memref_squeeze %dma_wait3A_95 : memref<1x128xi32, #tpu.memory_space<vmem>> -> memref<128xi32, #tpu.memory_space<vmem>>
      %dma_wait3A_97 = arith.constant 0 : i32
      %dma_wait3A_98 = arith.constant 0 : i32
      %dma_wait3A_99 = tpu.memref_slice %arg2[%dma_wait3A_97, %dma_wait3A_98] : memref<10240x128xf32, #tpu.memory_space<hbm>> -> memref<10240x128xf32, #tpu.memory_space<hbm>>
      tpu.wait_indirect_dma semaphore(%arg12 : memref<!tpu.dma_semaphore, #tpu.memory_space<semaphore_mem>>) src(%dma_wait3A_99 : memref<10240x128xf32, #tpu.memory_space<hbm>>) dst(%dma_wait3A_93 : memref<128x128xf32, #tpu.memory_space<vmem>>)
      %run_scoped3A_100 = arith.constant 1 : i32
      "tpu.region"() ({
        %run_scoped3A_108 = tpu.sem_alloc : memref<!tpu.dma_semaphore, #tpu.memory_space<semaphore_mem>>
        %dma_start3A_109 = arith.constant 0 : i32
        %dma_start3A_110 = arith.constant 0 : i32
        %dma_start3A_111 = tpu.memref_slice %arg9[%run_scoped3A_100, %dma_start3A_109, %dma_start3A_110] : memref<2x128x128xf32, #tpu.memory_space<vmem>> -> memref<1x128x128xf32, #tpu.memory_space<vmem>>
        %dma_start3A_112 = tpu.memref_squeeze %dma_start3A_111 : memref<1x128x128xf32, #tpu.memory_space<vmem>> -> memref<128x128xf32, #tpu.memory_space<vmem>>
        %dma_start3A_113 = arith.constant 0 : i32
        %dma_start3A_114 = tpu.memref_slice %arg8[%add3A_88, %dma_start3A_113] : memref<40x128xi32, #tpu.memory_space<vmem>> -> memref<1x128xi32, #tpu.memory_space<vmem>>
        %dma_start3A_115 = tpu.memref_squeeze %dma_start3A_114 : memref<1x128xi32, #tpu.memory_space<vmem>> -> memref<128xi32, #tpu.memory_space<vmem>>
        %dma_start3A_116 = arith.constant 0 : i32
        %dma_start3A_117 = arith.constant 0 : i32
        %dma_start3A_118 = tpu.memref_slice %arg10[%dma_start3A_116, %dma_start3A_117] : memref<10240x128xf32, #tpu.memory_space<vmem_shared>> -> memref<10240x128xf32, #tpu.memory_space<vmem_shared>>
        tpu.enqueue_indirect_dma source(%dma_start3A_112 : memref<128x128xf32, #tpu.memory_space<vmem>>) target(%dma_start3A_118 : memref<10240x128xf32, #tpu.memory_space<vmem_shared>>) offsets(%dma_start3A_115 : memref<128xi32, #tpu.memory_space<vmem>>) semaphore(%run_scoped3A_108 : memref<!tpu.dma_semaphore, #tpu.memory_space<semaphore_mem>>) {add = true}
        %dma_wait3A_119 = arith.constant 0 : i32
        %dma_wait3A_120 = arith.constant 0 : i32
        %dma_wait3A_121 = tpu.memref_slice %arg9[%run_scoped3A_100, %dma_wait3A_119, %dma_wait3A_120] : memref<2x128x128xf32, #tpu.memory_space<vmem>> -> memref<1x128x128xf32, #tpu.memory_space<vmem>>
        %dma_wait3A_122 = tpu.memref_squeeze %dma_wait3A_121 : memref<1x128x128xf32, #tpu.memory_space<vmem>> -> memref<128x128xf32, #tpu.memory_space<vmem>>
        %dma_wait3A_123 = arith.constant 0 : i32
        %dma_wait3A_124 = tpu.memref_slice %arg8[%add3A_88, %dma_wait3A_123] : memref<40x128xi32, #tpu.memory_space<vmem>> -> memref<1x128xi32, #tpu.memory_space<vmem>>
        %dma_wait3A_125 = tpu.memref_squeeze %dma_wait3A_124 : memref<1x128xi32, #tpu.memory_space<vmem>> -> memref<128xi32, #tpu.memory_space<vmem>>
        %dma_wait3A_126 = arith.constant 0 : i32
        %dma_wait3A_127 = arith.constant 0 : i32
        %dma_wait3A_128 = tpu.memref_slice %arg10[%dma_wait3A_126, %dma_wait3A_127] : memref<10240x128xf32, #tpu.memory_space<vmem_shared>> -> memref<10240x128xf32, #tpu.memory_space<vmem_shared>>
        tpu.wait_indirect_dma semaphore(%run_scoped3A_108 : memref<!tpu.dma_semaphore, #tpu.memory_space<semaphore_mem>>) src(%dma_wait3A_122 : memref<128x128xf32, #tpu.memory_space<vmem>>) dst(%dma_wait3A_128 : memref<10240x128xf32, #tpu.memory_space<vmem_shared>>)
        tpu.yield
      }) : () -> ()
      %add3A_101 = arith.constant 2 : i32
      %add3A_102 = arith.addi %add3A_88, %add3A_101 : i32
      %lt3A_103 = arith.constant 40 : i32
      %lt3A_104 = arith.cmpi slt, %add3A_102, %lt3A_103 : i32
      %convert_element_type3A_105 = arith.extui %lt3A_104 : i1 to i32
      %cond3A_106 = arith.constant 0 : i32
      %cond3A_107 = arith.cmpi ne, %convert_element_type3A_105, %cond3A_106 : i32
      scf.if %cond3A_107 {
        %add3A_108 = arith.constant 2 : i32
        %add3A_109 = arith.addi %add3A_88, %add3A_108 : i32
        %dma_start3A_110 = arith.constant 1 : i32
        %dma_start3A_111 = arith.constant 0 : i32
        %dma_start3A_112 = arith.constant 0 : i32
        %dma_start3A_113 = tpu.memref_slice %arg9[%dma_start3A_110, %dma_start3A_111, %dma_start3A_112] : memref<2x128x128xf32, #tpu.memory_space<vmem>> -> memref<1x128x128xf32, #tpu.memory_space<vmem>>
        %dma_start3A_114 = tpu.memref_squeeze %dma_start3A_113 : memref<1x128x128xf32, #tpu.memory_space<vmem>> -> memref<128x128xf32, #tpu.memory_space<vmem>>
        %dma_start3A_115 = arith.constant 0 : i32
        %dma_start3A_116 = tpu.memref_slice %arg7[%add3A_109, %dma_start3A_115] : memref<40x128xi32, #tpu.memory_space<vmem>> -> memref<1x128xi32, #tpu.memory_space<vmem>>
        %dma_start3A_117 = tpu.memref_squeeze %dma_start3A_116 : memref<1x128xi32, #tpu.memory_space<vmem>> -> memref<128xi32, #tpu.memory_space<vmem>>
        %dma_start3A_118 = arith.constant 0 : i32
        %dma_start3A_119 = arith.constant 0 : i32
        %dma_start3A_120 = tpu.memref_slice %arg2[%dma_start3A_118, %dma_start3A_119] : memref<10240x128xf32, #tpu.memory_space<hbm>> -> memref<10240x128xf32, #tpu.memory_space<hbm>>
        tpu.enqueue_indirect_dma source(%dma_start3A_120 : memref<10240x128xf32, #tpu.memory_space<hbm>>) target(%dma_start3A_114 : memref<128x128xf32, #tpu.memory_space<vmem>>) offsets(%dma_start3A_117 : memref<128xi32, #tpu.memory_space<vmem>>) semaphore(%arg12 : memref<!tpu.dma_semaphore, #tpu.memory_space<semaphore_mem>>)
      } else {
      }
    }
    %scan3A_32 = arith.constant 20 : i32
    "tpu.region"() ({
      %run_scoped3A = tpu.sem_alloc : memref<!tpu.dma_semaphore, #tpu.memory_space<semaphore_mem>>
      %dma_start3A_68 = arith.constant 40 : i32
      %dma_start3A_69 = arith.constant 0 : i32
      %dma_start3A_70 = tpu.memref_slice %arg3[%add3A, %dma_start3A_68, %dma_start3A_69] : memref<32x80x128xi32, #tpu.memory_space<hbm>> -> memref<1x40x128xi32, #tpu.memory_space<hbm>>
      %dma_start3A_71 = tpu.memref_squeeze %dma_start3A_70 : memref<1x40x128xi32, #tpu.memory_space<hbm>> -> memref<40x128xi32, #tpu.memory_space<hbm>>
      %dma_start3A_72 = arith.constant 40 : i32
      %dma_start3A_73 = arith.constant 0 : i32
      %dma_start3A_74 = tpu.memref_slice %arg3[%add3A, %dma_start3A_72, %dma_start3A_73] : memref<32x80x128xi32, #tpu.memory_space<hbm>> -> memref<1x40x128xi32, #tpu.memory_space<hbm>>
      %dma_start3A_75 = tpu.memref_squeeze %dma_start3A_74 : memref<1x40x128xi32, #tpu.memory_space<hbm>> -> memref<40x128xi32, #tpu.memory_space<hbm>>
      tpu.enqueue_dma source(%dma_start3A_75 : memref<40x128xi32, #tpu.memory_space<hbm>>) target(%arg7 : memref<40x128xi32, #tpu.memory_space<vmem>>) target_semaphore(%run_scoped3A : memref<!tpu.dma_semaphore, #tpu.memory_space<semaphore_mem>>)
      %dma_wait3A = arith.constant 40 : i32
      %dma_wait3A_76 = arith.constant 0 : i32
      %dma_wait3A_77 = tpu.memref_slice %arg3[%add3A, %dma_wait3A, %dma_wait3A_76] : memref<32x80x128xi32, #tpu.memory_space<hbm>> -> memref<1x40x128xi32, #tpu.memory_space<hbm>>
      %dma_wait3A_78 = tpu.memref_squeeze %dma_wait3A_77 : memref<1x40x128xi32, #tpu.memory_space<hbm>> -> memref<40x128xi32, #tpu.memory_space<hbm>>
      %dma_wait3A_79 = arith.constant 40 : i32
      %dma_wait3A_80 = arith.constant 0 : i32
      %dma_wait3A_81 = tpu.memref_slice %arg3[%add3A, %dma_wait3A_79, %dma_wait3A_80] : memref<32x80x128xi32, #tpu.memory_space<hbm>> -> memref<1x40x128xi32, #tpu.memory_space<hbm>>
      %dma_wait3A_82 = tpu.memref_squeeze %dma_wait3A_81 : memref<1x40x128xi32, #tpu.memory_space<hbm>> -> memref<40x128xi32, #tpu.memory_space<hbm>>
      tpu.wait_dma2 semaphore(%run_scoped3A : memref<!tpu.dma_semaphore, #tpu.memory_space<semaphore_mem>>) src(%dma_wait3A_82 : memref<40x128xi32, #tpu.memory_space<hbm>>) dst(%arg7 : memref<40x128xi32, #tpu.memory_space<vmem>>)
      tpu.yield
    }) : () -> ()
    "tpu.region"() ({
      %run_scoped3A = tpu.sem_alloc : memref<!tpu.dma_semaphore, #tpu.memory_space<semaphore_mem>>
      %dma_start3A_68 = arith.constant 40 : i32
      %dma_start3A_69 = arith.constant 0 : i32
      %dma_start3A_70 = tpu.memref_slice %arg4[%add3A, %dma_start3A_68, %dma_start3A_69] : memref<32x80x128xi32, #tpu.memory_space<hbm>> -> memref<1x40x128xi32, #tpu.memory_space<hbm>>
      %dma_start3A_71 = tpu.memref_squeeze %dma_start3A_70 : memref<1x40x128xi32, #tpu.memory_space<hbm>> -> memref<40x128xi32, #tpu.memory_space<hbm>>
      %dma_start3A_72 = arith.constant 40 : i32
      %dma_start3A_73 = arith.constant 0 : i32
      %dma_start3A_74 = tpu.memref_slice %arg4[%add3A, %dma_start3A_72, %dma_start3A_73] : memref<32x80x128xi32, #tpu.memory_space<hbm>> -> memref<1x40x128xi32, #tpu.memory_space<hbm>>
      %dma_start3A_75 = tpu.memref_squeeze %dma_start3A_74 : memref<1x40x128xi32, #tpu.memory_space<hbm>> -> memref<40x128xi32, #tpu.memory_space<hbm>>
      tpu.enqueue_dma source(%dma_start3A_75 : memref<40x128xi32, #tpu.memory_space<hbm>>) target(%arg8 : memref<40x128xi32, #tpu.memory_space<vmem>>) target_semaphore(%run_scoped3A : memref<!tpu.dma_semaphore, #tpu.memory_space<semaphore_mem>>)
      %dma_wait3A = arith.constant 40 : i32
      %dma_wait3A_76 = arith.constant 0 : i32
      %dma_wait3A_77 = tpu.memref_slice %arg4[%add3A, %dma_wait3A, %dma_wait3A_76] : memref<32x80x128xi32, #tpu.memory_space<hbm>> -> memref<1x40x128xi32, #tpu.memory_space<hbm>>
      %dma_wait3A_78 = tpu.memref_squeeze %dma_wait3A_77 : memref<1x40x128xi32, #tpu.memory_space<hbm>> -> memref<40x128xi32, #tpu.memory_space<hbm>>
      %dma_wait3A_79 = arith.constant 40 : i32
      %dma_wait3A_80 = arith.constant 0 : i32
      %dma_wait3A_81 = tpu.memref_slice %arg4[%add3A, %dma_wait3A_79, %dma_wait3A_80] : memref<32x80x128xi32, #tpu.memory_space<hbm>> -> memref<1x40x128xi32, #tpu.memory_space<hbm>>
      %dma_wait3A_82 = tpu.memref_squeeze %dma_wait3A_81 : memref<1x40x128xi32, #tpu.memory_space<hbm>> -> memref<40x128xi32, #tpu.memory_space<hbm>>
      tpu.wait_dma2 semaphore(%run_scoped3A : memref<!tpu.dma_semaphore, #tpu.memory_space<semaphore_mem>>) src(%dma_wait3A_82 : memref<40x128xi32, #tpu.memory_space<hbm>>) dst(%arg8 : memref<40x128xi32, #tpu.memory_space<vmem>>)
      tpu.yield
    }) : () -> ()
    %dma_start3A_33 = arith.constant 0 : i32
    %dma_start3A_34 = arith.constant 0 : i32
    %dma_start3A_35 = arith.constant 0 : i32
    %dma_start3A_36 = arith.constant 0 : i32
    %dma_start3A_37 = tpu.memref_slice %arg9[%dma_start3A_34, %dma_start3A_35, %dma_start3A_36] : memref<2x128x128xf32, #tpu.memory_space<vmem>> -> memref<1x128x128xf32, #tpu.memory_space<vmem>>
    %dma_start3A_38 = tpu.memref_squeeze %dma_start3A_37 : memref<1x128x128xf32, #tpu.memory_space<vmem>> -> memref<128x128xf32, #tpu.memory_space<vmem>>
    %dma_start3A_39 = arith.constant 0 : i32
    %dma_start3A_40 = tpu.memref_slice %arg7[%dma_start3A_33, %dma_start3A_39] : memref<40x128xi32, #tpu.memory_space<vmem>> -> memref<1x128xi32, #tpu.memory_space<vmem>>
    %dma_start3A_41 = tpu.memref_squeeze %dma_start3A_40 : memref<1x128xi32, #tpu.memory_space<vmem>> -> memref<128xi32, #tpu.memory_space<vmem>>
    %dma_start3A_42 = arith.constant 0 : i32
    %dma_start3A_43 = arith.constant 0 : i32
    %dma_start3A_44 = tpu.memref_slice %arg2[%dma_start3A_42, %dma_start3A_43] : memref<10240x128xf32, #tpu.memory_space<hbm>> -> memref<10240x128xf32, #tpu.memory_space<hbm>>
    tpu.enqueue_indirect_dma source(%dma_start3A_44 : memref<10240x128xf32, #tpu.memory_space<hbm>>) target(%dma_start3A_38 : memref<128x128xf32, #tpu.memory_space<vmem>>) offsets(%dma_start3A_41 : memref<128xi32, #tpu.memory_space<vmem>>) semaphore(%arg11 : memref<!tpu.dma_semaphore, #tpu.memory_space<semaphore_mem>>)
    %dma_start3A_45 = arith.constant 1 : i32
    %dma_start3A_46 = arith.constant 1 : i32
    %dma_start3A_47 = arith.constant 0 : i32
    %dma_start3A_48 = arith.constant 0 : i32
    %dma_start3A_49 = tpu.memref_slice %arg9[%dma_start3A_46, %dma_start3A_47, %dma_start3A_48] : memref<2x128x128xf32, #tpu.memory_space<vmem>> -> memref<1x128x128xf32, #tpu.memory_space<vmem>>
    %dma_start3A_50 = tpu.memref_squeeze %dma_start3A_49 : memref<1x128x128xf32, #tpu.memory_space<vmem>> -> memref<128x128xf32, #tpu.memory_space<vmem>>
    %dma_start3A_51 = arith.constant 0 : i32
    %dma_start3A_52 = tpu.memref_slice %arg7[%dma_start3A_45, %dma_start3A_51] : memref<40x128xi32, #tpu.memory_space<vmem>> -> memref<1x128xi32, #tpu.memory_space<vmem>>
    %dma_start3A_53 = tpu.memref_squeeze %dma_start3A_52 : memref<1x128xi32, #tpu.memory_space<vmem>> -> memref<128xi32, #tpu.memory_space<vmem>>
    %dma_start3A_54 = arith.constant 0 : i32
    %dma_start3A_55 = arith.constant 0 : i32
    %dma_start3A_56 = tpu.memref_slice %arg2[%dma_start3A_54, %dma_start3A_55] : memref<10240x128xf32, #tpu.memory_space<hbm>> -> memref<10240x128xf32, #tpu.memory_space<hbm>>
    tpu.enqueue_indirect_dma source(%dma_start3A_56 : memref<10240x128xf32, #tpu.memory_space<hbm>>) target(%dma_start3A_50 : memref<128x128xf32, #tpu.memory_space<vmem>>) offsets(%dma_start3A_53 : memref<128xi32, #tpu.memory_space<vmem>>) semaphore(%arg12 : memref<!tpu.dma_semaphore, #tpu.memory_space<semaphore_mem>>)
    %scan3A_57 = arith.constant 0 : i32
    %scan3A_58 = arith.constant 0 : i32
    %scan3A_59 = arith.constant 20 : i32
    %scan3A_60 = arith.addi %scan3A_58, %scan3A_59 : i32
    %scan3A_61 = arith.constant 1 : i32
    scf.for %scan3A_68 = %scan3A_58 to %scan3A_60 step %scan3A_61  : i32 {
      %mul3A_69 = arith.constant 2 : i32
      %mul3A_70 = arith.muli %scan3A_68, %mul3A_69 : i32
      %add3A_71 = arith.constant 0 : i32
      %add3A_72 = arith.addi %mul3A_70, %add3A_71 : i32
      %dma_wait3A = arith.constant 0 : i32
      %dma_wait3A_73 = arith.constant 0 : i32
      %dma_wait3A_74 = arith.constant 0 : i32
      %dma_wait3A_75 = tpu.memref_slice %arg9[%dma_wait3A, %dma_wait3A_73, %dma_wait3A_74] : memref<2x128x128xf32, #tpu.memory_space<vmem>> -> memref<1x128x128xf32, #tpu.memory_space<vmem>>
      %dma_wait3A_76 = tpu.memref_squeeze %dma_wait3A_75 : memref<1x128x128xf32, #tpu.memory_space<vmem>> -> memref<128x128xf32, #tpu.memory_space<vmem>>
      %dma_wait3A_77 = arith.constant 0 : i32
      %dma_wait3A_78 = tpu.memref_slice %arg7[%add3A_72, %dma_wait3A_77] : memref<40x128xi32, #tpu.memory_space<vmem>> -> memref<1x128xi32, #tpu.memory_space<vmem>>
      %dma_wait3A_79 = tpu.memref_squeeze %dma_wait3A_78 : memref<1x128xi32, #tpu.memory_space<vmem>> -> memref<128xi32, #tpu.memory_space<vmem>>
      %dma_wait3A_80 = arith.constant 0 : i32
      %dma_wait3A_81 = arith.constant 0 : i32
      %dma_wait3A_82 = tpu.memref_slice %arg2[%dma_wait3A_80, %dma_wait3A_81] : memref<10240x128xf32, #tpu.memory_space<hbm>> -> memref<10240x128xf32, #tpu.memory_space<hbm>>
      tpu.wait_indirect_dma semaphore(%arg11 : memref<!tpu.dma_semaphore, #tpu.memory_space<semaphore_mem>>) src(%dma_wait3A_82 : memref<10240x128xf32, #tpu.memory_space<hbm>>) dst(%dma_wait3A_76 : memref<128x128xf32, #tpu.memory_space<vmem>>)
      %run_scoped3A = arith.constant 0 : i32
      "tpu.region"() ({
        %run_scoped3A_108 = tpu.sem_alloc : memref<!tpu.dma_semaphore, #tpu.memory_space<semaphore_mem>>
        %dma_start3A_109 = arith.constant 0 : i32
        %dma_start3A_110 = arith.constant 0 : i32
        %dma_start3A_111 = tpu.memref_slice %arg9[%run_scoped3A, %dma_start3A_109, %dma_start3A_110] : memref<2x128x128xf32, #tpu.memory_space<vmem>> -> memref<1x128x128xf32, #tpu.memory_space<vmem>>
        %dma_start3A_112 = tpu.memref_squeeze %dma_start3A_111 : memref<1x128x128xf32, #tpu.memory_space<vmem>> -> memref<128x128xf32, #tpu.memory_space<vmem>>
        %dma_start3A_113 = arith.constant 0 : i32
        %dma_start3A_114 = tpu.memref_slice %arg8[%add3A_72, %dma_start3A_113] : memref<40x128xi32, #tpu.memory_space<vmem>> -> memref<1x128xi32, #tpu.memory_space<vmem>>
        %dma_start3A_115 = tpu.memref_squeeze %dma_start3A_114 : memref<1x128xi32, #tpu.memory_space<vmem>> -> memref<128xi32, #tpu.memory_space<vmem>>
        %dma_start3A_116 = arith.constant 0 : i32
        %dma_start3A_117 = arith.constant 0 : i32
        %dma_start3A_118 = tpu.memref_slice %arg10[%dma_start3A_116, %dma_start3A_117] : memref<10240x128xf32, #tpu.memory_space<vmem_shared>> -> memref<10240x128xf32, #tpu.memory_space<vmem_shared>>
        tpu.enqueue_indirect_dma source(%dma_start3A_112 : memref<128x128xf32, #tpu.memory_space<vmem>>) target(%dma_start3A_118 : memref<10240x128xf32, #tpu.memory_space<vmem_shared>>) offsets(%dma_start3A_115 : memref<128xi32, #tpu.memory_space<vmem>>) semaphore(%run_scoped3A_108 : memref<!tpu.dma_semaphore, #tpu.memory_space<semaphore_mem>>) {add = true}
        %dma_wait3A_119 = arith.constant 0 : i32
        %dma_wait3A_120 = arith.constant 0 : i32
        %dma_wait3A_121 = tpu.memref_slice %arg9[%run_scoped3A, %dma_wait3A_119, %dma_wait3A_120] : memref<2x128x128xf32, #tpu.memory_space<vmem>> -> memref<1x128x128xf32, #tpu.memory_space<vmem>>
        %dma_wait3A_122 = tpu.memref_squeeze %dma_wait3A_121 : memref<1x128x128xf32, #tpu.memory_space<vmem>> -> memref<128x128xf32, #tpu.memory_space<vmem>>
        %dma_wait3A_123 = arith.constant 0 : i32
        %dma_wait3A_124 = tpu.memref_slice %arg8[%add3A_72, %dma_wait3A_123] : memref<40x128xi32, #tpu.memory_space<vmem>> -> memref<1x128xi32, #tpu.memory_space<vmem>>
        %dma_wait3A_125 = tpu.memref_squeeze %dma_wait3A_124 : memref<1x128xi32, #tpu.memory_space<vmem>> -> memref<128xi32, #tpu.memory_space<vmem>>
        %dma_wait3A_126 = arith.constant 0 : i32
        %dma_wait3A_127 = arith.constant 0 : i32
        %dma_wait3A_128 = tpu.memref_slice %arg10[%dma_wait3A_126, %dma_wait3A_127] : memref<10240x128xf32, #tpu.memory_space<vmem_shared>> -> memref<10240x128xf32, #tpu.memory_space<vmem_shared>>
        tpu.wait_indirect_dma semaphore(%run_scoped3A_108 : memref<!tpu.dma_semaphore, #tpu.memory_space<semaphore_mem>>) src(%dma_wait3A_122 : memref<128x128xf32, #tpu.memory_space<vmem>>) dst(%dma_wait3A_128 : memref<10240x128xf32, #tpu.memory_space<vmem_shared>>)
        tpu.yield
      }) : () -> ()
      %add3A_83 = arith.constant 2 : i32
      %add3A_84 = arith.addi %add3A_72, %add3A_83 : i32
      %lt3A = arith.constant 40 : i32
      %lt3A_85 = arith.cmpi slt, %add3A_84, %lt3A : i32
      %convert_element_type3A = arith.extui %lt3A_85 : i1 to i32
      %cond3A = arith.constant 0 : i32
      %cond3A_86 = arith.cmpi ne, %convert_element_type3A, %cond3A : i32
      scf.if %cond3A_86 {
        %add3A_108 = arith.constant 2 : i32
        %add3A_109 = arith.addi %add3A_72, %add3A_108 : i32
        %dma_start3A_110 = arith.constant 0 : i32
        %dma_start3A_111 = arith.constant 0 : i32
        %dma_start3A_112 = arith.constant 0 : i32
        %dma_start3A_113 = tpu.memref_slice %arg9[%dma_start3A_110, %dma_start3A_111, %dma_start3A_112] : memref<2x128x128xf32, #tpu.memory_space<vmem>> -> memref<1x128x128xf32, #tpu.memory_space<vmem>>
        %dma_start3A_114 = tpu.memref_squeeze %dma_start3A_113 : memref<1x128x128xf32, #tpu.memory_space<vmem>> -> memref<128x128xf32, #tpu.memory_space<vmem>>
        %dma_start3A_115 = arith.constant 0 : i32
        %dma_start3A_116 = tpu.memref_slice %arg7[%add3A_109, %dma_start3A_115] : memref<40x128xi32, #tpu.memory_space<vmem>> -> memref<1x128xi32, #tpu.memory_space<vmem>>
        %dma_start3A_117 = tpu.memref_squeeze %dma_start3A_116 : memref<1x128xi32, #tpu.memory_space<vmem>> -> memref<128xi32, #tpu.memory_space<vmem>>
        %dma_start3A_118 = arith.constant 0 : i32
        %dma_start3A_119 = arith.constant 0 : i32
        %dma_start3A_120 = tpu.memref_slice %arg2[%dma_start3A_118, %dma_start3A_119] : memref<10240x128xf32, #tpu.memory_space<hbm>> -> memref<10240x128xf32, #tpu.memory_space<hbm>>
        tpu.enqueue_indirect_dma source(%dma_start3A_120 : memref<10240x128xf32, #tpu.memory_space<hbm>>) target(%dma_start3A_114 : memref<128x128xf32, #tpu.memory_space<vmem>>) offsets(%dma_start3A_117 : memref<128xi32, #tpu.memory_space<vmem>>) semaphore(%arg11 : memref<!tpu.dma_semaphore, #tpu.memory_space<semaphore_mem>>)
      } else {
      }
      %add3A_87 = arith.constant 1 : i32
      %add3A_88 = arith.addi %mul3A_70, %add3A_87 : i32
      %dma_wait3A_89 = arith.constant 1 : i32
      %dma_wait3A_90 = arith.constant 0 : i32
      %dma_wait3A_91 = arith.constant 0 : i32
      %dma_wait3A_92 = tpu.memref_slice %arg9[%dma_wait3A_89, %dma_wait3A_90, %dma_wait3A_91] : memref<2x128x128xf32, #tpu.memory_space<vmem>> -> memref<1x128x128xf32, #tpu.memory_space<vmem>>
      %dma_wait3A_93 = tpu.memref_squeeze %dma_wait3A_92 : memref<1x128x128xf32, #tpu.memory_space<vmem>> -> memref<128x128xf32, #tpu.memory_space<vmem>>
      %dma_wait3A_94 = arith.constant 0 : i32
      %dma_wait3A_95 = tpu.memref_slice %arg7[%add3A_88, %dma_wait3A_94] : memref<40x128xi32, #tpu.memory_space<vmem>> -> memref<1x128xi32, #tpu.memory_space<vmem>>
      %dma_wait3A_96 = tpu.memref_squeeze %dma_wait3A_95 : memref<1x128xi32, #tpu.memory_space<vmem>> -> memref<128xi32, #tpu.memory_space<vmem>>
      %dma_wait3A_97 = arith.constant 0 : i32
      %dma_wait3A_98 = arith.constant 0 : i32
      %dma_wait3A_99 = tpu.memref_slice %arg2[%dma_wait3A_97, %dma_wait3A_98] : memref<10240x128xf32, #tpu.memory_space<hbm>> -> memref<10240x128xf32, #tpu.memory_space<hbm>>
      tpu.wait_indirect_dma semaphore(%arg12 : memref<!tpu.dma_semaphore, #tpu.memory_space<semaphore_mem>>) src(%dma_wait3A_99 : memref<10240x128xf32, #tpu.memory_space<hbm>>) dst(%dma_wait3A_93 : memref<128x128xf32, #tpu.memory_space<vmem>>)
      %run_scoped3A_100 = arith.constant 1 : i32
      "tpu.region"() ({
        %run_scoped3A_108 = tpu.sem_alloc : memref<!tpu.dma_semaphore, #tpu.memory_space<semaphore_mem>>
        %dma_start3A_109 = arith.constant 0 : i32
        %dma_start3A_110 = arith.constant 0 : i32
        %dma_start3A_111 = tpu.memref_slice %arg9[%run_scoped3A_100, %dma_start3A_109, %dma_start3A_110] : memref<2x128x128xf32, #tpu.memory_space<vmem>> -> memref<1x128x128xf32, #tpu.memory_space<vmem>>
        %dma_start3A_112 = tpu.memref_squeeze %dma_start3A_111 : memref<1x128x128xf32, #tpu.memory_space<vmem>> -> memref<128x128xf32, #tpu.memory_space<vmem>>
        %dma_start3A_113 = arith.constant 0 : i32
        %dma_start3A_114 = tpu.memref_slice %arg8[%add3A_88, %dma_start3A_113] : memref<40x128xi32, #tpu.memory_space<vmem>> -> memref<1x128xi32, #tpu.memory_space<vmem>>
        %dma_start3A_115 = tpu.memref_squeeze %dma_start3A_114 : memref<1x128xi32, #tpu.memory_space<vmem>> -> memref<128xi32, #tpu.memory_space<vmem>>
        %dma_start3A_116 = arith.constant 0 : i32
        %dma_start3A_117 = arith.constant 0 : i32
        %dma_start3A_118 = tpu.memref_slice %arg10[%dma_start3A_116, %dma_start3A_117] : memref<10240x128xf32, #tpu.memory_space<vmem_shared>> -> memref<10240x128xf32, #tpu.memory_space<vmem_shared>>
        tpu.enqueue_indirect_dma source(%dma_start3A_112 : memref<128x128xf32, #tpu.memory_space<vmem>>) target(%dma_start3A_118 : memref<10240x128xf32, #tpu.memory_space<vmem_shared>>) offsets(%dma_start3A_115 : memref<128xi32, #tpu.memory_space<vmem>>) semaphore(%run_scoped3A_108 : memref<!tpu.dma_semaphore, #tpu.memory_space<semaphore_mem>>) {add = true}
        %dma_wait3A_119 = arith.constant 0 : i32
        %dma_wait3A_120 = arith.constant 0 : i32
        %dma_wait3A_121 = tpu.memref_slice %arg9[%run_scoped3A_100, %dma_wait3A_119, %dma_wait3A_120] : memref<2x128x128xf32, #tpu.memory_space<vmem>> -> memref<1x128x128xf32, #tpu.memory_space<vmem>>
        %dma_wait3A_122 = tpu.memref_squeeze %dma_wait3A_121 : memref<1x128x128xf32, #tpu.memory_space<vmem>> -> memref<128x128xf32, #tpu.memory_space<vmem>>
        %dma_wait3A_123 = arith.constant 0 : i32
        %dma_wait3A_124 = tpu.memref_slice %arg8[%add3A_88, %dma_wait3A_123] : memref<40x128xi32, #tpu.memory_space<vmem>> -> memref<1x128xi32, #tpu.memory_space<vmem>>
        %dma_wait3A_125 = tpu.memref_squeeze %dma_wait3A_124 : memref<1x128xi32, #tpu.memory_space<vmem>> -> memref<128xi32, #tpu.memory_space<vmem>>
        %dma_wait3A_126 = arith.constant 0 : i32
        %dma_wait3A_127 = arith.constant 0 : i32
        %dma_wait3A_128 = tpu.memref_slice %arg10[%dma_wait3A_126, %dma_wait3A_127] : memref<10240x128xf32, #tpu.memory_space<vmem_shared>> -> memref<10240x128xf32, #tpu.memory_space<vmem_shared>>
        tpu.wait_indirect_dma semaphore(%run_scoped3A_108 : memref<!tpu.dma_semaphore, #tpu.memory_space<semaphore_mem>>) src(%dma_wait3A_122 : memref<128x128xf32, #tpu.memory_space<vmem>>) dst(%dma_wait3A_128 : memref<10240x128xf32, #tpu.memory_space<vmem_shared>>)
        tpu.yield
      }) : () -> ()
      %add3A_101 = arith.constant 2 : i32
      %add3A_102 = arith.addi %add3A_88, %add3A_101 : i32
      %lt3A_103 = arith.constant 40 : i32
      %lt3A_104 = arith.cmpi slt, %add3A_102, %lt3A_103 : i32
      %convert_element_type3A_105 = arith.extui %lt3A_104 : i1 to i32
      %cond3A_106 = arith.constant 0 : i32
      %cond3A_107 = arith.cmpi ne, %convert_element_type3A_105, %cond3A_106 : i32
      scf.if %cond3A_107 {
        %add3A_108 = arith.constant 2 : i32
        %add3A_109 = arith.addi %add3A_88, %add3A_108 : i32
        %dma_start3A_110 = arith.constant 1 : i32
        %dma_start3A_111 = arith.constant 0 : i32
        %dma_start3A_112 = arith.constant 0 : i32
        %dma_start3A_113 = tpu.memref_slice %arg9[%dma_start3A_110, %dma_start3A_111, %dma_start3A_112] : memref<2x128x128xf32, #tpu.memory_space<vmem>> -> memref<1x128x128xf32, #tpu.memory_space<vmem>>
        %dma_start3A_114 = tpu.memref_squeeze %dma_start3A_113 : memref<1x128x128xf32, #tpu.memory_space<vmem>> -> memref<128x128xf32, #tpu.memory_space<vmem>>
        %dma_start3A_115 = arith.constant 0 : i32
        %dma_start3A_116 = tpu.memref_slice %arg7[%add3A_109, %dma_start3A_115] : memref<40x128xi32, #tpu.memory_space<vmem>> -> memref<1x128xi32, #tpu.memory_space<vmem>>
        %dma_start3A_117 = tpu.memref_squeeze %dma_start3A_116 : memref<1x128xi32, #tpu.memory_space<vmem>> -> memref<128xi32, #tpu.memory_space<vmem>>
        %dma_start3A_118 = arith.constant 0 : i32
        %dma_start3A_119 = arith.constant 0 : i32
        %dma_start3A_120 = tpu.memref_slice %arg2[%dma_start3A_118, %dma_start3A_119] : memref<10240x128xf32, #tpu.memory_space<hbm>> -> memref<10240x128xf32, #tpu.memory_space<hbm>>
        tpu.enqueue_indirect_dma source(%dma_start3A_120 : memref<10240x128xf32, #tpu.memory_space<hbm>>) target(%dma_start3A_114 : memref<128x128xf32, #tpu.memory_space<vmem>>) offsets(%dma_start3A_117 : memref<128xi32, #tpu.memory_space<vmem>>) semaphore(%arg12 : memref<!tpu.dma_semaphore, #tpu.memory_space<semaphore_mem>>)
      } else {
      }
    }
    %scan3A_62 = arith.constant 20 : i32
    %barrier3A_63 = arith.constant 0 : index
    tpu.barrier barrier_id(%barrier3A_63)
    %mul3A_64 = arith.constant 640 : i32
    %mul3A_65 = arith.muli %arg1, %mul3A_64 : i32
    %mul3A_66 = arith.constant 640 : i32
    %mul3A_67 = arith.muli %arg1, %mul3A_66 : i32
    "tpu.region"() ({
      %run_scoped3A = tpu.sem_alloc : memref<!tpu.dma_semaphore, #tpu.memory_space<semaphore_mem>>
      %dma_start3A_68 = arith.constant 0 : i32
      %dma_start3A_69 = tpu.memref_slice %arg6[%arg0, %mul3A_67, %dma_start3A_68] : memref<2x10240x128xf32, #tpu.memory_space<hbm>> -> memref<1x640x128xf32, #tpu.memory_space<hbm>>
      %dma_start3A_70 = tpu.memref_squeeze %dma_start3A_69 : memref<1x640x128xf32, #tpu.memory_space<hbm>> -> memref<640x128xf32, #tpu.memory_space<hbm>>
      %dma_start3A_71 = arith.constant 0 : i32
      %dma_start3A_72 = tpu.memref_slice %arg10[%mul3A_65, %dma_start3A_71] : memref<10240x128xf32, #tpu.memory_space<vmem_shared>> -> memref<640x128xf32, #tpu.memory_space<vmem_shared>>
      tpu.enqueue_dma source(%dma_start3A_72 : memref<640x128xf32, #tpu.memory_space<vmem_shared>>) target(%dma_start3A_70 : memref<640x128xf32, #tpu.memory_space<hbm>>) target_semaphore(%run_scoped3A : memref<!tpu.dma_semaphore, #tpu.memory_space<semaphore_mem>>)
      %dma_wait3A = arith.constant 0 : i32
      %dma_wait3A_73 = tpu.memref_slice %arg6[%arg0, %mul3A_67, %dma_wait3A] : memref<2x10240x128xf32, #tpu.memory_space<hbm>> -> memref<1x640x128xf32, #tpu.memory_space<hbm>>
      %dma_wait3A_74 = tpu.memref_squeeze %dma_wait3A_73 : memref<1x640x128xf32, #tpu.memory_space<hbm>> -> memref<640x128xf32, #tpu.memory_space<hbm>>
      %dma_wait3A_75 = arith.constant 0 : i32
      %dma_wait3A_76 = tpu.memref_slice %arg10[%mul3A_65, %dma_wait3A_75] : memref<10240x128xf32, #tpu.memory_space<vmem_shared>> -> memref<640x128xf32, #tpu.memory_space<vmem_shared>>
      tpu.wait_dma2 semaphore(%run_scoped3A : memref<!tpu.dma_semaphore, #tpu.memory_space<semaphore_mem>>) src(%dma_wait3A_76 : memref<640x128xf32, #tpu.memory_space<vmem_shared>>) dst(%dma_wait3A_74 : memref<640x128xf32, #tpu.memory_space<hbm>>)
      tpu.yield
    }) : () -> ()
    return
  }
}

#map = affine_map<(d0, d1) -> (0, 0)>
#map1 = affine_map<(d0, d1) -> (0, 0, 0)>
module attributes {stable_mosaic.version = 14 : i64} {
  func.func @_sc_edge_scatter(%arg0: i32, %arg1: i32, %arg2: memref<10240x128xf32, #tpu.memory_space<hbm>>, %arg3: memref<32x80x128xi32, #tpu.memory_space<hbm>>, %arg4: memref<32x80x128xi32, #tpu.memory_space<hbm>>, %arg5: memref<10240x128xf32, #tpu.memory_space<hbm>>, %arg6: memref<2x10240x128xf32, #tpu.memory_space<hbm>>, %arg7: memref<40x128xi32, #tpu.memory_space<vmem>>, %arg8: memref<40x128xi32, #tpu.memory_space<vmem>>, %arg9: memref<2x128x128xf32, #tpu.memory_space<vmem>>, %arg10: memref<10240x128xf32, #tpu.memory_space<vmem_shared>>, %arg11: memref<!tpu.dma_semaphore, #tpu.memory_space<semaphore_mem>>, %arg12: memref<!tpu.dma_semaphore, #tpu.memory_space<semaphore_mem>>) attributes {dimension_semantics = [#tpu.dimension_semantics<core_parallel>, #tpu.dimension_semantics<subcore_parallel>], iteration_bounds = array<i64: 2, 16>, scalar_prefetch = 0 : i64, scratch_operands = 6 : i64, tpu.core_type = #tpu.core_type<sc_vector_subcore>, window_params = [{transform_indices = #map}, {transform_indices = #map1}, {transform_indices = #map1}, {transform_indices = #map}, {transform_indices = #map1}]} {
    %mul3A = arith.constant 2 : i32
    %mul3A_0 = arith.muli %arg1, %mul3A : i32
    %add3A = arith.addi %mul3A_0, %arg0 : i32
    %mul3A_1 = arith.constant 640 : i32
    %mul3A_2 = arith.muli %arg1, %mul3A_1 : i32
    %mul3A_3 = arith.constant 640 : i32
    %mul3A_4 = arith.muli %arg1, %mul3A_3 : i32
    "tpu.region"() ({
      %run_scoped3A = tpu.sem_alloc : memref<!tpu.dma_semaphore, #tpu.memory_space<semaphore_mem>>
      %dma_start3A_68 = arith.constant 0 : i32
      %dma_start3A_69 = tpu.memref_slice %arg10[%mul3A_4, %dma_start3A_68] : memref<10240x128xf32, #tpu.memory_space<vmem_shared>> -> memref<640x128xf32, #tpu.memory_space<vmem_shared>>
      %dma_start3A_70 = arith.constant 0 : i32
      %dma_start3A_71 = tpu.memref_slice %arg5[%mul3A_2, %dma_start3A_70] : memref<10240x128xf32, #tpu.memory_space<hbm>> -> memref<640x128xf32, #tpu.memory_space<hbm>>
      tpu.enqueue_dma source(%dma_start3A_71 : memref<640x128xf32, #tpu.memory_space<hbm>>) target(%dma_start3A_69 : memref<640x128xf32, #tpu.memory_space<vmem_shared>>) target_semaphore(%run_scoped3A : memref<!tpu.dma_semaphore, #tpu.memory_space<semaphore_mem>>)
      %dma_wait3A = arith.constant 0 : i32
      %dma_wait3A_72 = tpu.memref_slice %arg10[%mul3A_4, %dma_wait3A] : memref<10240x128xf32, #tpu.memory_space<vmem_shared>> -> memref<640x128xf32, #tpu.memory_space<vmem_shared>>
      %dma_wait3A_73 = arith.constant 0 : i32
      %dma_wait3A_74 = tpu.memref_slice %arg5[%mul3A_2, %dma_wait3A_73] : memref<10240x128xf32, #tpu.memory_space<hbm>> -> memref<640x128xf32, #tpu.memory_space<hbm>>
      tpu.wait_dma2 semaphore(%run_scoped3A : memref<!tpu.dma_semaphore, #tpu.memory_space<semaphore_mem>>) src(%dma_wait3A_74 : memref<640x128xf32, #tpu.memory_space<hbm>>) dst(%dma_wait3A_72 : memref<640x128xf32, #tpu.memory_space<vmem_shared>>)
      tpu.yield
    }) : () -> ()
    %barrier3A = arith.constant 0 : index
    tpu.barrier barrier_id(%barrier3A)
    "tpu.region"() ({
      %run_scoped3A = tpu.sem_alloc : memref<!tpu.dma_semaphore, #tpu.memory_space<semaphore_mem>>
      %dma_start3A_68 = arith.constant 0 : i32
      %dma_start3A_69 = arith.constant 0 : i32
      %dma_start3A_70 = tpu.memref_slice %arg3[%add3A, %dma_start3A_68, %dma_start3A_69] : memref<32x80x128xi32, #tpu.memory_space<hbm>> -> memref<1x40x128xi32, #tpu.memory_space<hbm>>
      %dma_start3A_71 = tpu.memref_squeeze %dma_start3A_70 : memref<1x40x128xi32, #tpu.memory_space<hbm>> -> memref<40x128xi32, #tpu.memory_space<hbm>>
      %dma_start3A_72 = arith.constant 0 : i32
      %dma_start3A_73 = arith.constant 0 : i32
      %dma_start3A_74 = tpu.memref_slice %arg3[%add3A, %dma_start3A_72, %dma_start3A_73] : memref<32x80x128xi32, #tpu.memory_space<hbm>> -> memref<1x40x128xi32, #tpu.memory_space<hbm>>
      %dma_start3A_75 = tpu.memref_squeeze %dma_start3A_74 : memref<1x40x128xi32, #tpu.memory_space<hbm>> -> memref<40x128xi32, #tpu.memory_space<hbm>>
      tpu.enqueue_dma source(%dma_start3A_75 : memref<40x128xi32, #tpu.memory_space<hbm>>) target(%arg7 : memref<40x128xi32, #tpu.memory_space<vmem>>) target_semaphore(%run_scoped3A : memref<!tpu.dma_semaphore, #tpu.memory_space<semaphore_mem>>)
      %dma_wait3A = arith.constant 0 : i32
      %dma_wait3A_76 = arith.constant 0 : i32
      %dma_wait3A_77 = tpu.memref_slice %arg3[%add3A, %dma_wait3A, %dma_wait3A_76] : memref<32x80x128xi32, #tpu.memory_space<hbm>> -> memref<1x40x128xi32, #tpu.memory_space<hbm>>
      %dma_wait3A_78 = tpu.memref_squeeze %dma_wait3A_77 : memref<1x40x128xi32, #tpu.memory_space<hbm>> -> memref<40x128xi32, #tpu.memory_space<hbm>>
      %dma_wait3A_79 = arith.constant 0 : i32
      %dma_wait3A_80 = arith.constant 0 : i32
      %dma_wait3A_81 = tpu.memref_slice %arg3[%add3A, %dma_wait3A_79, %dma_wait3A_80] : memref<32x80x128xi32, #tpu.memory_space<hbm>> -> memref<1x40x128xi32, #tpu.memory_space<hbm>>
      %dma_wait3A_82 = tpu.memref_squeeze %dma_wait3A_81 : memref<1x40x128xi32, #tpu.memory_space<hbm>> -> memref<40x128xi32, #tpu.memory_space<hbm>>
      tpu.wait_dma2 semaphore(%run_scoped3A : memref<!tpu.dma_semaphore, #tpu.memory_space<semaphore_mem>>) src(%dma_wait3A_82 : memref<40x128xi32, #tpu.memory_space<hbm>>) dst(%arg7 : memref<40x128xi32, #tpu.memory_space<vmem>>)
      tpu.yield
    }) : () -> ()
    "tpu.region"() ({
      %run_scoped3A = tpu.sem_alloc : memref<!tpu.dma_semaphore, #tpu.memory_space<semaphore_mem>>
      %dma_start3A_68 = arith.constant 0 : i32
      %dma_start3A_69 = arith.constant 0 : i32
      %dma_start3A_70 = tpu.memref_slice %arg4[%add3A, %dma_start3A_68, %dma_start3A_69] : memref<32x80x128xi32, #tpu.memory_space<hbm>> -> memref<1x40x128xi32, #tpu.memory_space<hbm>>
      %dma_start3A_71 = tpu.memref_squeeze %dma_start3A_70 : memref<1x40x128xi32, #tpu.memory_space<hbm>> -> memref<40x128xi32, #tpu.memory_space<hbm>>
      %dma_start3A_72 = arith.constant 0 : i32
      %dma_start3A_73 = arith.constant 0 : i32
      %dma_start3A_74 = tpu.memref_slice %arg4[%add3A, %dma_start3A_72, %dma_start3A_73] : memref<32x80x128xi32, #tpu.memory_space<hbm>> -> memref<1x40x128xi32, #tpu.memory_space<hbm>>
      %dma_start3A_75 = tpu.memref_squeeze %dma_start3A_74 : memref<1x40x128xi32, #tpu.memory_space<hbm>> -> memref<40x128xi32, #tpu.memory_space<hbm>>
      tpu.enqueue_dma source(%dma_start3A_75 : memref<40x128xi32, #tpu.memory_space<hbm>>) target(%arg8 : memref<40x128xi32, #tpu.memory_space<vmem>>) target_semaphore(%run_scoped3A : memref<!tpu.dma_semaphore, #tpu.memory_space<semaphore_mem>>)
      %dma_wait3A = arith.constant 0 : i32
      %dma_wait3A_76 = arith.constant 0 : i32
      %dma_wait3A_77 = tpu.memref_slice %arg4[%add3A, %dma_wait3A, %dma_wait3A_76] : memref<32x80x128xi32, #tpu.memory_space<hbm>> -> memref<1x40x128xi32, #tpu.memory_space<hbm>>
      %dma_wait3A_78 = tpu.memref_squeeze %dma_wait3A_77 : memref<1x40x128xi32, #tpu.memory_space<hbm>> -> memref<40x128xi32, #tpu.memory_space<hbm>>
      %dma_wait3A_79 = arith.constant 0 : i32
      %dma_wait3A_80 = arith.constant 0 : i32
      %dma_wait3A_81 = tpu.memref_slice %arg4[%add3A, %dma_wait3A_79, %dma_wait3A_80] : memref<32x80x128xi32, #tpu.memory_space<hbm>> -> memref<1x40x128xi32, #tpu.memory_space<hbm>>
      %dma_wait3A_82 = tpu.memref_squeeze %dma_wait3A_81 : memref<1x40x128xi32, #tpu.memory_space<hbm>> -> memref<40x128xi32, #tpu.memory_space<hbm>>
      tpu.wait_dma2 semaphore(%run_scoped3A : memref<!tpu.dma_semaphore, #tpu.memory_space<semaphore_mem>>) src(%dma_wait3A_82 : memref<40x128xi32, #tpu.memory_space<hbm>>) dst(%arg8 : memref<40x128xi32, #tpu.memory_space<vmem>>)
      tpu.yield
    }) : () -> ()
    %dma_start3A = arith.constant 0 : i32
    %dma_start3A_5 = arith.constant 0 : i32
    %dma_start3A_6 = arith.constant 0 : i32
    %dma_start3A_7 = arith.constant 0 : i32
    %dma_start3A_8 = tpu.memref_slice %arg9[%dma_start3A_5, %dma_start3A_6, %dma_start3A_7] : memref<2x128x128xf32, #tpu.memory_space<vmem>> -> memref<1x128x128xf32, #tpu.memory_space<vmem>>
    %dma_start3A_9 = tpu.memref_squeeze %dma_start3A_8 : memref<1x128x128xf32, #tpu.memory_space<vmem>> -> memref<128x128xf32, #tpu.memory_space<vmem>>
    %dma_start3A_10 = arith.constant 0 : i32
    %dma_start3A_11 = tpu.memref_slice %arg7[%dma_start3A, %dma_start3A_10] : memref<40x128xi32, #tpu.memory_space<vmem>> -> memref<1x128xi32, #tpu.memory_space<vmem>>
    %dma_start3A_12 = tpu.memref_squeeze %dma_start3A_11 : memref<1x128xi32, #tpu.memory_space<vmem>> -> memref<128xi32, #tpu.memory_space<vmem>>
    %dma_start3A_13 = arith.constant 0 : i32
    %dma_start3A_14 = arith.constant 0 : i32
    %dma_start3A_15 = tpu.memref_slice %arg2[%dma_start3A_13, %dma_start3A_14] : memref<10240x128xf32, #tpu.memory_space<hbm>> -> memref<10240x128xf32, #tpu.memory_space<hbm>>
    tpu.enqueue_indirect_dma source(%dma_start3A_15 : memref<10240x128xf32, #tpu.memory_space<hbm>>) target(%dma_start3A_9 : memref<128x128xf32, #tpu.memory_space<vmem>>) offsets(%dma_start3A_12 : memref<128xi32, #tpu.memory_space<vmem>>) semaphore(%arg11 : memref<!tpu.dma_semaphore, #tpu.memory_space<semaphore_mem>>)
    %dma_start3A_16 = arith.constant 1 : i32
    %dma_start3A_17 = arith.constant 1 : i32
    %dma_start3A_18 = arith.constant 0 : i32
    %dma_start3A_19 = arith.constant 0 : i32
    %dma_start3A_20 = tpu.memref_slice %arg9[%dma_start3A_17, %dma_start3A_18, %dma_start3A_19] : memref<2x128x128xf32, #tpu.memory_space<vmem>> -> memref<1x128x128xf32, #tpu.memory_space<vmem>>
    %dma_start3A_21 = tpu.memref_squeeze %dma_start3A_20 : memref<1x128x128xf32, #tpu.memory_space<vmem>> -> memref<128x128xf32, #tpu.memory_space<vmem>>
    %dma_start3A_22 = arith.constant 0 : i32
    %dma_start3A_23 = tpu.memref_slice %arg7[%dma_start3A_16, %dma_start3A_22] : memref<40x128xi32, #tpu.memory_space<vmem>> -> memref<1x128xi32, #tpu.memory_space<vmem>>
    %dma_start3A_24 = tpu.memref_squeeze %dma_start3A_23 : memref<1x128xi32, #tpu.memory_space<vmem>> -> memref<128xi32, #tpu.memory_space<vmem>>
    %dma_start3A_25 = arith.constant 0 : i32
    %dma_start3A_26 = arith.constant 0 : i32
    %dma_start3A_27 = tpu.memref_slice %arg2[%dma_start3A_25, %dma_start3A_26] : memref<10240x128xf32, #tpu.memory_space<hbm>> -> memref<10240x128xf32, #tpu.memory_space<hbm>>
    tpu.enqueue_indirect_dma source(%dma_start3A_27 : memref<10240x128xf32, #tpu.memory_space<hbm>>) target(%dma_start3A_21 : memref<128x128xf32, #tpu.memory_space<vmem>>) offsets(%dma_start3A_24 : memref<128xi32, #tpu.memory_space<vmem>>) semaphore(%arg12 : memref<!tpu.dma_semaphore, #tpu.memory_space<semaphore_mem>>)
    %scan3A = arith.constant 0 : i32
    %scan3A_28 = arith.constant 0 : i32
    %scan3A_29 = arith.constant 20 : i32
    %scan3A_30 = arith.addi %scan3A_28, %scan3A_29 : i32
    %scan3A_31 = arith.constant 1 : i32
    scf.for %scan3A_68 = %scan3A_28 to %scan3A_30 step %scan3A_31  : i32 {
      %mul3A_69 = arith.constant 2 : i32
      %mul3A_70 = arith.muli %scan3A_68, %mul3A_69 : i32
      %add3A_71 = arith.constant 0 : i32
      %add3A_72 = arith.addi %mul3A_70, %add3A_71 : i32
      %dma_wait3A = arith.constant 0 : i32
      %dma_wait3A_73 = arith.constant 0 : i32
      %dma_wait3A_74 = arith.constant 0 : i32
      %dma_wait3A_75 = tpu.memref_slice %arg9[%dma_wait3A, %dma_wait3A_73, %dma_wait3A_74] : memref<2x128x128xf32, #tpu.memory_space<vmem>> -> memref<1x128x128xf32, #tpu.memory_space<vmem>>
      %dma_wait3A_76 = tpu.memref_squeeze %dma_wait3A_75 : memref<1x128x128xf32, #tpu.memory_space<vmem>> -> memref<128x128xf32, #tpu.memory_space<vmem>>
      %dma_wait3A_77 = arith.constant 0 : i32
      %dma_wait3A_78 = tpu.memref_slice %arg7[%add3A_72, %dma_wait3A_77] : memref<40x128xi32, #tpu.memory_space<vmem>> -> memref<1x128xi32, #tpu.memory_space<vmem>>
      %dma_wait3A_79 = tpu.memref_squeeze %dma_wait3A_78 : memref<1x128xi32, #tpu.memory_space<vmem>> -> memref<128xi32, #tpu.memory_space<vmem>>
      %dma_wait3A_80 = arith.constant 0 : i32
      %dma_wait3A_81 = arith.constant 0 : i32
      %dma_wait3A_82 = tpu.memref_slice %arg2[%dma_wait3A_80, %dma_wait3A_81] : memref<10240x128xf32, #tpu.memory_space<hbm>> -> memref<10240x128xf32, #tpu.memory_space<hbm>>
      tpu.wait_indirect_dma semaphore(%arg11 : memref<!tpu.dma_semaphore, #tpu.memory_space<semaphore_mem>>) src(%dma_wait3A_82 : memref<10240x128xf32, #tpu.memory_space<hbm>>) dst(%dma_wait3A_76 : memref<128x128xf32, #tpu.memory_space<vmem>>)
      %run_scoped3A = arith.constant 0 : i32
      "tpu.region"() ({
        %run_scoped3A_108 = tpu.sem_alloc : memref<!tpu.dma_semaphore, #tpu.memory_space<semaphore_mem>>
        %dma_start3A_109 = arith.constant 0 : i32
        %dma_start3A_110 = arith.constant 0 : i32
        %dma_start3A_111 = tpu.memref_slice %arg9[%run_scoped3A, %dma_start3A_109, %dma_start3A_110] : memref<2x128x128xf32, #tpu.memory_space<vmem>> -> memref<1x128x128xf32, #tpu.memory_space<vmem>>
        %dma_start3A_112 = tpu.memref_squeeze %dma_start3A_111 : memref<1x128x128xf32, #tpu.memory_space<vmem>> -> memref<128x128xf32, #tpu.memory_space<vmem>>
        %dma_start3A_113 = arith.constant 0 : i32
        %dma_start3A_114 = tpu.memref_slice %arg8[%add3A_72, %dma_start3A_113] : memref<40x128xi32, #tpu.memory_space<vmem>> -> memref<1x128xi32, #tpu.memory_space<vmem>>
        %dma_start3A_115 = tpu.memref_squeeze %dma_start3A_114 : memref<1x128xi32, #tpu.memory_space<vmem>> -> memref<128xi32, #tpu.memory_space<vmem>>
        %dma_start3A_116 = arith.constant 0 : i32
        %dma_start3A_117 = arith.constant 0 : i32
        %dma_start3A_118 = tpu.memref_slice %arg10[%dma_start3A_116, %dma_start3A_117] : memref<10240x128xf32, #tpu.memory_space<vmem_shared>> -> memref<10240x128xf32, #tpu.memory_space<vmem_shared>>
        tpu.enqueue_indirect_dma source(%dma_start3A_112 : memref<128x128xf32, #tpu.memory_space<vmem>>) target(%dma_start3A_118 : memref<10240x128xf32, #tpu.memory_space<vmem_shared>>) offsets(%dma_start3A_115 : memref<128xi32, #tpu.memory_space<vmem>>) semaphore(%run_scoped3A_108 : memref<!tpu.dma_semaphore, #tpu.memory_space<semaphore_mem>>) {add = true}
        %dma_wait3A_119 = arith.constant 0 : i32
        %dma_wait3A_120 = arith.constant 0 : i32
        %dma_wait3A_121 = tpu.memref_slice %arg9[%run_scoped3A, %dma_wait3A_119, %dma_wait3A_120] : memref<2x128x128xf32, #tpu.memory_space<vmem>> -> memref<1x128x128xf32, #tpu.memory_space<vmem>>
        %dma_wait3A_122 = tpu.memref_squeeze %dma_wait3A_121 : memref<1x128x128xf32, #tpu.memory_space<vmem>> -> memref<128x128xf32, #tpu.memory_space<vmem>>
        %dma_wait3A_123 = arith.constant 0 : i32
        %dma_wait3A_124 = tpu.memref_slice %arg8[%add3A_72, %dma_wait3A_123] : memref<40x128xi32, #tpu.memory_space<vmem>> -> memref<1x128xi32, #tpu.memory_space<vmem>>
        %dma_wait3A_125 = tpu.memref_squeeze %dma_wait3A_124 : memref<1x128xi32, #tpu.memory_space<vmem>> -> memref<128xi32, #tpu.memory_space<vmem>>
        %dma_wait3A_126 = arith.constant 0 : i32
        %dma_wait3A_127 = arith.constant 0 : i32
        %dma_wait3A_128 = tpu.memref_slice %arg10[%dma_wait3A_126, %dma_wait3A_127] : memref<10240x128xf32, #tpu.memory_space<vmem_shared>> -> memref<10240x128xf32, #tpu.memory_space<vmem_shared>>
        tpu.wait_indirect_dma semaphore(%run_scoped3A_108 : memref<!tpu.dma_semaphore, #tpu.memory_space<semaphore_mem>>) src(%dma_wait3A_122 : memref<128x128xf32, #tpu.memory_space<vmem>>) dst(%dma_wait3A_128 : memref<10240x128xf32, #tpu.memory_space<vmem_shared>>)
        tpu.yield
      }) : () -> ()
      %add3A_83 = arith.constant 2 : i32
      %add3A_84 = arith.addi %add3A_72, %add3A_83 : i32
      %lt3A = arith.constant 40 : i32
      %lt3A_85 = arith.cmpi slt, %add3A_84, %lt3A : i32
      %convert_element_type3A = arith.extui %lt3A_85 : i1 to i32
      %cond3A = arith.constant 0 : i32
      %cond3A_86 = arith.cmpi ne, %convert_element_type3A, %cond3A : i32
      scf.if %cond3A_86 {
        %add3A_108 = arith.constant 2 : i32
        %add3A_109 = arith.addi %add3A_72, %add3A_108 : i32
        %dma_start3A_110 = arith.constant 0 : i32
        %dma_start3A_111 = arith.constant 0 : i32
        %dma_start3A_112 = arith.constant 0 : i32
        %dma_start3A_113 = tpu.memref_slice %arg9[%dma_start3A_110, %dma_start3A_111, %dma_start3A_112] : memref<2x128x128xf32, #tpu.memory_space<vmem>> -> memref<1x128x128xf32, #tpu.memory_space<vmem>>
        %dma_start3A_114 = tpu.memref_squeeze %dma_start3A_113 : memref<1x128x128xf32, #tpu.memory_space<vmem>> -> memref<128x128xf32, #tpu.memory_space<vmem>>
        %dma_start3A_115 = arith.constant 0 : i32
        %dma_start3A_116 = tpu.memref_slice %arg7[%add3A_109, %dma_start3A_115] : memref<40x128xi32, #tpu.memory_space<vmem>> -> memref<1x128xi32, #tpu.memory_space<vmem>>
        %dma_start3A_117 = tpu.memref_squeeze %dma_start3A_116 : memref<1x128xi32, #tpu.memory_space<vmem>> -> memref<128xi32, #tpu.memory_space<vmem>>
        %dma_start3A_118 = arith.constant 0 : i32
        %dma_start3A_119 = arith.constant 0 : i32
        %dma_start3A_120 = tpu.memref_slice %arg2[%dma_start3A_118, %dma_start3A_119] : memref<10240x128xf32, #tpu.memory_space<hbm>> -> memref<10240x128xf32, #tpu.memory_space<hbm>>
        tpu.enqueue_indirect_dma source(%dma_start3A_120 : memref<10240x128xf32, #tpu.memory_space<hbm>>) target(%dma_start3A_114 : memref<128x128xf32, #tpu.memory_space<vmem>>) offsets(%dma_start3A_117 : memref<128xi32, #tpu.memory_space<vmem>>) semaphore(%arg11 : memref<!tpu.dma_semaphore, #tpu.memory_space<semaphore_mem>>)
      } else {
      }
      %add3A_87 = arith.constant 1 : i32
      %add3A_88 = arith.addi %mul3A_70, %add3A_87 : i32
      %dma_wait3A_89 = arith.constant 1 : i32
      %dma_wait3A_90 = arith.constant 0 : i32
      %dma_wait3A_91 = arith.constant 0 : i32
      %dma_wait3A_92 = tpu.memref_slice %arg9[%dma_wait3A_89, %dma_wait3A_90, %dma_wait3A_91] : memref<2x128x128xf32, #tpu.memory_space<vmem>> -> memref<1x128x128xf32, #tpu.memory_space<vmem>>
      %dma_wait3A_93 = tpu.memref_squeeze %dma_wait3A_92 : memref<1x128x128xf32, #tpu.memory_space<vmem>> -> memref<128x128xf32, #tpu.memory_space<vmem>>
      %dma_wait3A_94 = arith.constant 0 : i32
      %dma_wait3A_95 = tpu.memref_slice %arg7[%add3A_88, %dma_wait3A_94] : memref<40x128xi32, #tpu.memory_space<vmem>> -> memref<1x128xi32, #tpu.memory_space<vmem>>
      %dma_wait3A_96 = tpu.memref_squeeze %dma_wait3A_95 : memref<1x128xi32, #tpu.memory_space<vmem>> -> memref<128xi32, #tpu.memory_space<vmem>>
      %dma_wait3A_97 = arith.constant 0 : i32
      %dma_wait3A_98 = arith.constant 0 : i32
      %dma_wait3A_99 = tpu.memref_slice %arg2[%dma_wait3A_97, %dma_wait3A_98] : memref<10240x128xf32, #tpu.memory_space<hbm>> -> memref<10240x128xf32, #tpu.memory_space<hbm>>
      tpu.wait_indirect_dma semaphore(%arg12 : memref<!tpu.dma_semaphore, #tpu.memory_space<semaphore_mem>>) src(%dma_wait3A_99 : memref<10240x128xf32, #tpu.memory_space<hbm>>) dst(%dma_wait3A_93 : memref<128x128xf32, #tpu.memory_space<vmem>>)
      %run_scoped3A_100 = arith.constant 1 : i32
      "tpu.region"() ({
        %run_scoped3A_108 = tpu.sem_alloc : memref<!tpu.dma_semaphore, #tpu.memory_space<semaphore_mem>>
        %dma_start3A_109 = arith.constant 0 : i32
        %dma_start3A_110 = arith.constant 0 : i32
        %dma_start3A_111 = tpu.memref_slice %arg9[%run_scoped3A_100, %dma_start3A_109, %dma_start3A_110] : memref<2x128x128xf32, #tpu.memory_space<vmem>> -> memref<1x128x128xf32, #tpu.memory_space<vmem>>
        %dma_start3A_112 = tpu.memref_squeeze %dma_start3A_111 : memref<1x128x128xf32, #tpu.memory_space<vmem>> -> memref<128x128xf32, #tpu.memory_space<vmem>>
        %dma_start3A_113 = arith.constant 0 : i32
        %dma_start3A_114 = tpu.memref_slice %arg8[%add3A_88, %dma_start3A_113] : memref<40x128xi32, #tpu.memory_space<vmem>> -> memref<1x128xi32, #tpu.memory_space<vmem>>
        %dma_start3A_115 = tpu.memref_squeeze %dma_start3A_114 : memref<1x128xi32, #tpu.memory_space<vmem>> -> memref<128xi32, #tpu.memory_space<vmem>>
        %dma_start3A_116 = arith.constant 0 : i32
        %dma_start3A_117 = arith.constant 0 : i32
        %dma_start3A_118 = tpu.memref_slice %arg10[%dma_start3A_116, %dma_start3A_117] : memref<10240x128xf32, #tpu.memory_space<vmem_shared>> -> memref<10240x128xf32, #tpu.memory_space<vmem_shared>>
        tpu.enqueue_indirect_dma source(%dma_start3A_112 : memref<128x128xf32, #tpu.memory_space<vmem>>) target(%dma_start3A_118 : memref<10240x128xf32, #tpu.memory_space<vmem_shared>>) offsets(%dma_start3A_115 : memref<128xi32, #tpu.memory_space<vmem>>) semaphore(%run_scoped3A_108 : memref<!tpu.dma_semaphore, #tpu.memory_space<semaphore_mem>>) {add = true}
        %dma_wait3A_119 = arith.constant 0 : i32
        %dma_wait3A_120 = arith.constant 0 : i32
        %dma_wait3A_121 = tpu.memref_slice %arg9[%run_scoped3A_100, %dma_wait3A_119, %dma_wait3A_120] : memref<2x128x128xf32, #tpu.memory_space<vmem>> -> memref<1x128x128xf32, #tpu.memory_space<vmem>>
        %dma_wait3A_122 = tpu.memref_squeeze %dma_wait3A_121 : memref<1x128x128xf32, #tpu.memory_space<vmem>> -> memref<128x128xf32, #tpu.memory_space<vmem>>
        %dma_wait3A_123 = arith.constant 0 : i32
        %dma_wait3A_124 = tpu.memref_slice %arg8[%add3A_88, %dma_wait3A_123] : memref<40x128xi32, #tpu.memory_space<vmem>> -> memref<1x128xi32, #tpu.memory_space<vmem>>
        %dma_wait3A_125 = tpu.memref_squeeze %dma_wait3A_124 : memref<1x128xi32, #tpu.memory_space<vmem>> -> memref<128xi32, #tpu.memory_space<vmem>>
        %dma_wait3A_126 = arith.constant 0 : i32
        %dma_wait3A_127 = arith.constant 0 : i32
        %dma_wait3A_128 = tpu.memref_slice %arg10[%dma_wait3A_126, %dma_wait3A_127] : memref<10240x128xf32, #tpu.memory_space<vmem_shared>> -> memref<10240x128xf32, #tpu.memory_space<vmem_shared>>
        tpu.wait_indirect_dma semaphore(%run_scoped3A_108 : memref<!tpu.dma_semaphore, #tpu.memory_space<semaphore_mem>>) src(%dma_wait3A_122 : memref<128x128xf32, #tpu.memory_space<vmem>>) dst(%dma_wait3A_128 : memref<10240x128xf32, #tpu.memory_space<vmem_shared>>)
        tpu.yield
      }) : () -> ()
      %add3A_101 = arith.constant 2 : i32
      %add3A_102 = arith.addi %add3A_88, %add3A_101 : i32
      %lt3A_103 = arith.constant 40 : i32
      %lt3A_104 = arith.cmpi slt, %add3A_102, %lt3A_103 : i32
      %convert_element_type3A_105 = arith.extui %lt3A_104 : i1 to i32
      %cond3A_106 = arith.constant 0 : i32
      %cond3A_107 = arith.cmpi ne, %convert_element_type3A_105, %cond3A_106 : i32
      scf.if %cond3A_107 {
        %add3A_108 = arith.constant 2 : i32
        %add3A_109 = arith.addi %add3A_88, %add3A_108 : i32
        %dma_start3A_110 = arith.constant 1 : i32
        %dma_start3A_111 = arith.constant 0 : i32
        %dma_start3A_112 = arith.constant 0 : i32
        %dma_start3A_113 = tpu.memref_slice %arg9[%dma_start3A_110, %dma_start3A_111, %dma_start3A_112] : memref<2x128x128xf32, #tpu.memory_space<vmem>> -> memref<1x128x128xf32, #tpu.memory_space<vmem>>
        %dma_start3A_114 = tpu.memref_squeeze %dma_start3A_113 : memref<1x128x128xf32, #tpu.memory_space<vmem>> -> memref<128x128xf32, #tpu.memory_space<vmem>>
        %dma_start3A_115 = arith.constant 0 : i32
        %dma_start3A_116 = tpu.memref_slice %arg7[%add3A_109, %dma_start3A_115] : memref<40x128xi32, #tpu.memory_space<vmem>> -> memref<1x128xi32, #tpu.memory_space<vmem>>
        %dma_start3A_117 = tpu.memref_squeeze %dma_start3A_116 : memref<1x128xi32, #tpu.memory_space<vmem>> -> memref<128xi32, #tpu.memory_space<vmem>>
        %dma_start3A_118 = arith.constant 0 : i32
        %dma_start3A_119 = arith.constant 0 : i32
        %dma_start3A_120 = tpu.memref_slice %arg2[%dma_start3A_118, %dma_start3A_119] : memref<10240x128xf32, #tpu.memory_space<hbm>> -> memref<10240x128xf32, #tpu.memory_space<hbm>>
        tpu.enqueue_indirect_dma source(%dma_start3A_120 : memref<10240x128xf32, #tpu.memory_space<hbm>>) target(%dma_start3A_114 : memref<128x128xf32, #tpu.memory_space<vmem>>) offsets(%dma_start3A_117 : memref<128xi32, #tpu.memory_space<vmem>>) semaphore(%arg12 : memref<!tpu.dma_semaphore, #tpu.memory_space<semaphore_mem>>)
      } else {
      }
    }
    %scan3A_32 = arith.constant 20 : i32
    "tpu.region"() ({
      %run_scoped3A = tpu.sem_alloc : memref<!tpu.dma_semaphore, #tpu.memory_space<semaphore_mem>>
      %dma_start3A_68 = arith.constant 40 : i32
      %dma_start3A_69 = arith.constant 0 : i32
      %dma_start3A_70 = tpu.memref_slice %arg3[%add3A, %dma_start3A_68, %dma_start3A_69] : memref<32x80x128xi32, #tpu.memory_space<hbm>> -> memref<1x40x128xi32, #tpu.memory_space<hbm>>
      %dma_start3A_71 = tpu.memref_squeeze %dma_start3A_70 : memref<1x40x128xi32, #tpu.memory_space<hbm>> -> memref<40x128xi32, #tpu.memory_space<hbm>>
      %dma_start3A_72 = arith.constant 40 : i32
      %dma_start3A_73 = arith.constant 0 : i32
      %dma_start3A_74 = tpu.memref_slice %arg3[%add3A, %dma_start3A_72, %dma_start3A_73] : memref<32x80x128xi32, #tpu.memory_space<hbm>> -> memref<1x40x128xi32, #tpu.memory_space<hbm>>
      %dma_start3A_75 = tpu.memref_squeeze %dma_start3A_74 : memref<1x40x128xi32, #tpu.memory_space<hbm>> -> memref<40x128xi32, #tpu.memory_space<hbm>>
      tpu.enqueue_dma source(%dma_start3A_75 : memref<40x128xi32, #tpu.memory_space<hbm>>) target(%arg7 : memref<40x128xi32, #tpu.memory_space<vmem>>) target_semaphore(%run_scoped3A : memref<!tpu.dma_semaphore, #tpu.memory_space<semaphore_mem>>)
      %dma_wait3A = arith.constant 40 : i32
      %dma_wait3A_76 = arith.constant 0 : i32
      %dma_wait3A_77 = tpu.memref_slice %arg3[%add3A, %dma_wait3A, %dma_wait3A_76] : memref<32x80x128xi32, #tpu.memory_space<hbm>> -> memref<1x40x128xi32, #tpu.memory_space<hbm>>
      %dma_wait3A_78 = tpu.memref_squeeze %dma_wait3A_77 : memref<1x40x128xi32, #tpu.memory_space<hbm>> -> memref<40x128xi32, #tpu.memory_space<hbm>>
      %dma_wait3A_79 = arith.constant 40 : i32
      %dma_wait3A_80 = arith.constant 0 : i32
      %dma_wait3A_81 = tpu.memref_slice %arg3[%add3A, %dma_wait3A_79, %dma_wait3A_80] : memref<32x80x128xi32, #tpu.memory_space<hbm>> -> memref<1x40x128xi32, #tpu.memory_space<hbm>>
      %dma_wait3A_82 = tpu.memref_squeeze %dma_wait3A_81 : memref<1x40x128xi32, #tpu.memory_space<hbm>> -> memref<40x128xi32, #tpu.memory_space<hbm>>
      tpu.wait_dma2 semaphore(%run_scoped3A : memref<!tpu.dma_semaphore, #tpu.memory_space<semaphore_mem>>) src(%dma_wait3A_82 : memref<40x128xi32, #tpu.memory_space<hbm>>) dst(%arg7 : memref<40x128xi32, #tpu.memory_space<vmem>>)
      tpu.yield
    }) : () -> ()
    "tpu.region"() ({
      %run_scoped3A = tpu.sem_alloc : memref<!tpu.dma_semaphore, #tpu.memory_space<semaphore_mem>>
      %dma_start3A_68 = arith.constant 40 : i32
      %dma_start3A_69 = arith.constant 0 : i32
      %dma_start3A_70 = tpu.memref_slice %arg4[%add3A, %dma_start3A_68, %dma_start3A_69] : memref<32x80x128xi32, #tpu.memory_space<hbm>> -> memref<1x40x128xi32, #tpu.memory_space<hbm>>
      %dma_start3A_71 = tpu.memref_squeeze %dma_start3A_70 : memref<1x40x128xi32, #tpu.memory_space<hbm>> -> memref<40x128xi32, #tpu.memory_space<hbm>>
      %dma_start3A_72 = arith.constant 40 : i32
      %dma_start3A_73 = arith.constant 0 : i32
      %dma_start3A_74 = tpu.memref_slice %arg4[%add3A, %dma_start3A_72, %dma_start3A_73] : memref<32x80x128xi32, #tpu.memory_space<hbm>> -> memref<1x40x128xi32, #tpu.memory_space<hbm>>
      %dma_start3A_75 = tpu.memref_squeeze %dma_start3A_74 : memref<1x40x128xi32, #tpu.memory_space<hbm>> -> memref<40x128xi32, #tpu.memory_space<hbm>>
      tpu.enqueue_dma source(%dma_start3A_75 : memref<40x128xi32, #tpu.memory_space<hbm>>) target(%arg8 : memref<40x128xi32, #tpu.memory_space<vmem>>) target_semaphore(%run_scoped3A : memref<!tpu.dma_semaphore, #tpu.memory_space<semaphore_mem>>)
      %dma_wait3A = arith.constant 40 : i32
      %dma_wait3A_76 = arith.constant 0 : i32
      %dma_wait3A_77 = tpu.memref_slice %arg4[%add3A, %dma_wait3A, %dma_wait3A_76] : memref<32x80x128xi32, #tpu.memory_space<hbm>> -> memref<1x40x128xi32, #tpu.memory_space<hbm>>
      %dma_wait3A_78 = tpu.memref_squeeze %dma_wait3A_77 : memref<1x40x128xi32, #tpu.memory_space<hbm>> -> memref<40x128xi32, #tpu.memory_space<hbm>>
      %dma_wait3A_79 = arith.constant 40 : i32
      %dma_wait3A_80 = arith.constant 0 : i32
      %dma_wait3A_81 = tpu.memref_slice %arg4[%add3A, %dma_wait3A_79, %dma_wait3A_80] : memref<32x80x128xi32, #tpu.memory_space<hbm>> -> memref<1x40x128xi32, #tpu.memory_space<hbm>>
      %dma_wait3A_82 = tpu.memref_squeeze %dma_wait3A_81 : memref<1x40x128xi32, #tpu.memory_space<hbm>> -> memref<40x128xi32, #tpu.memory_space<hbm>>
      tpu.wait_dma2 semaphore(%run_scoped3A : memref<!tpu.dma_semaphore, #tpu.memory_space<semaphore_mem>>) src(%dma_wait3A_82 : memref<40x128xi32, #tpu.memory_space<hbm>>) dst(%arg8 : memref<40x128xi32, #tpu.memory_space<vmem>>)
      tpu.yield
    }) : () -> ()
    %dma_start3A_33 = arith.constant 0 : i32
    %dma_start3A_34 = arith.constant 0 : i32
    %dma_start3A_35 = arith.constant 0 : i32
    %dma_start3A_36 = arith.constant 0 : i32
    %dma_start3A_37 = tpu.memref_slice %arg9[%dma_start3A_34, %dma_start3A_35, %dma_start3A_36] : memref<2x128x128xf32, #tpu.memory_space<vmem>> -> memref<1x128x128xf32, #tpu.memory_space<vmem>>
    %dma_start3A_38 = tpu.memref_squeeze %dma_start3A_37 : memref<1x128x128xf32, #tpu.memory_space<vmem>> -> memref<128x128xf32, #tpu.memory_space<vmem>>
    %dma_start3A_39 = arith.constant 0 : i32
    %dma_start3A_40 = tpu.memref_slice %arg7[%dma_start3A_33, %dma_start3A_39] : memref<40x128xi32, #tpu.memory_space<vmem>> -> memref<1x128xi32, #tpu.memory_space<vmem>>
    %dma_start3A_41 = tpu.memref_squeeze %dma_start3A_40 : memref<1x128xi32, #tpu.memory_space<vmem>> -> memref<128xi32, #tpu.memory_space<vmem>>
    %dma_start3A_42 = arith.constant 0 : i32
    %dma_start3A_43 = arith.constant 0 : i32
    %dma_start3A_44 = tpu.memref_slice %arg2[%dma_start3A_42, %dma_start3A_43] : memref<10240x128xf32, #tpu.memory_space<hbm>> -> memref<10240x128xf32, #tpu.memory_space<hbm>>
    tpu.enqueue_indirect_dma source(%dma_start3A_44 : memref<10240x128xf32, #tpu.memory_space<hbm>>) target(%dma_start3A_38 : memref<128x128xf32, #tpu.memory_space<vmem>>) offsets(%dma_start3A_41 : memref<128xi32, #tpu.memory_space<vmem>>) semaphore(%arg11 : memref<!tpu.dma_semaphore, #tpu.memory_space<semaphore_mem>>)
    %dma_start3A_45 = arith.constant 1 : i32
    %dma_start3A_46 = arith.constant 1 : i32
    %dma_start3A_47 = arith.constant 0 : i32
    %dma_start3A_48 = arith.constant 0 : i32
    %dma_start3A_49 = tpu.memref_slice %arg9[%dma_start3A_46, %dma_start3A_47, %dma_start3A_48] : memref<2x128x128xf32, #tpu.memory_space<vmem>> -> memref<1x128x128xf32, #tpu.memory_space<vmem>>
    %dma_start3A_50 = tpu.memref_squeeze %dma_start3A_49 : memref<1x128x128xf32, #tpu.memory_space<vmem>> -> memref<128x128xf32, #tpu.memory_space<vmem>>
    %dma_start3A_51 = arith.constant 0 : i32
    %dma_start3A_52 = tpu.memref_slice %arg7[%dma_start3A_45, %dma_start3A_51] : memref<40x128xi32, #tpu.memory_space<vmem>> -> memref<1x128xi32, #tpu.memory_space<vmem>>
    %dma_start3A_53 = tpu.memref_squeeze %dma_start3A_52 : memref<1x128xi32, #tpu.memory_space<vmem>> -> memref<128xi32, #tpu.memory_space<vmem>>
    %dma_start3A_54 = arith.constant 0 : i32
    %dma_start3A_55 = arith.constant 0 : i32
    %dma_start3A_56 = tpu.memref_slice %arg2[%dma_start3A_54, %dma_start3A_55] : memref<10240x128xf32, #tpu.memory_space<hbm>> -> memref<10240x128xf32, #tpu.memory_space<hbm>>
    tpu.enqueue_indirect_dma source(%dma_start3A_56 : memref<10240x128xf32, #tpu.memory_space<hbm>>) target(%dma_start3A_50 : memref<128x128xf32, #tpu.memory_space<vmem>>) offsets(%dma_start3A_53 : memref<128xi32, #tpu.memory_space<vmem>>) semaphore(%arg12 : memref<!tpu.dma_semaphore, #tpu.memory_space<semaphore_mem>>)
    %scan3A_57 = arith.constant 0 : i32
    %scan3A_58 = arith.constant 0 : i32
    %scan3A_59 = arith.constant 20 : i32
    %scan3A_60 = arith.addi %scan3A_58, %scan3A_59 : i32
    %scan3A_61 = arith.constant 1 : i32
    scf.for %scan3A_68 = %scan3A_58 to %scan3A_60 step %scan3A_61  : i32 {
      %mul3A_69 = arith.constant 2 : i32
      %mul3A_70 = arith.muli %scan3A_68, %mul3A_69 : i32
      %add3A_71 = arith.constant 0 : i32
      %add3A_72 = arith.addi %mul3A_70, %add3A_71 : i32
      %dma_wait3A = arith.constant 0 : i32
      %dma_wait3A_73 = arith.constant 0 : i32
      %dma_wait3A_74 = arith.constant 0 : i32
      %dma_wait3A_75 = tpu.memref_slice %arg9[%dma_wait3A, %dma_wait3A_73, %dma_wait3A_74] : memref<2x128x128xf32, #tpu.memory_space<vmem>> -> memref<1x128x128xf32, #tpu.memory_space<vmem>>
      %dma_wait3A_76 = tpu.memref_squeeze %dma_wait3A_75 : memref<1x128x128xf32, #tpu.memory_space<vmem>> -> memref<128x128xf32, #tpu.memory_space<vmem>>
      %dma_wait3A_77 = arith.constant 0 : i32
      %dma_wait3A_78 = tpu.memref_slice %arg7[%add3A_72, %dma_wait3A_77] : memref<40x128xi32, #tpu.memory_space<vmem>> -> memref<1x128xi32, #tpu.memory_space<vmem>>
      %dma_wait3A_79 = tpu.memref_squeeze %dma_wait3A_78 : memref<1x128xi32, #tpu.memory_space<vmem>> -> memref<128xi32, #tpu.memory_space<vmem>>
      %dma_wait3A_80 = arith.constant 0 : i32
      %dma_wait3A_81 = arith.constant 0 : i32
      %dma_wait3A_82 = tpu.memref_slice %arg2[%dma_wait3A_80, %dma_wait3A_81] : memref<10240x128xf32, #tpu.memory_space<hbm>> -> memref<10240x128xf32, #tpu.memory_space<hbm>>
      tpu.wait_indirect_dma semaphore(%arg11 : memref<!tpu.dma_semaphore, #tpu.memory_space<semaphore_mem>>) src(%dma_wait3A_82 : memref<10240x128xf32, #tpu.memory_space<hbm>>) dst(%dma_wait3A_76 : memref<128x128xf32, #tpu.memory_space<vmem>>)
      %run_scoped3A = arith.constant 0 : i32
      "tpu.region"() ({
        %run_scoped3A_108 = tpu.sem_alloc : memref<!tpu.dma_semaphore, #tpu.memory_space<semaphore_mem>>
        %dma_start3A_109 = arith.constant 0 : i32
        %dma_start3A_110 = arith.constant 0 : i32
        %dma_start3A_111 = tpu.memref_slice %arg9[%run_scoped3A, %dma_start3A_109, %dma_start3A_110] : memref<2x128x128xf32, #tpu.memory_space<vmem>> -> memref<1x128x128xf32, #tpu.memory_space<vmem>>
        %dma_start3A_112 = tpu.memref_squeeze %dma_start3A_111 : memref<1x128x128xf32, #tpu.memory_space<vmem>> -> memref<128x128xf32, #tpu.memory_space<vmem>>
        %dma_start3A_113 = arith.constant 0 : i32
        %dma_start3A_114 = tpu.memref_slice %arg8[%add3A_72, %dma_start3A_113] : memref<40x128xi32, #tpu.memory_space<vmem>> -> memref<1x128xi32, #tpu.memory_space<vmem>>
        %dma_start3A_115 = tpu.memref_squeeze %dma_start3A_114 : memref<1x128xi32, #tpu.memory_space<vmem>> -> memref<128xi32, #tpu.memory_space<vmem>>
        %dma_start3A_116 = arith.constant 0 : i32
        %dma_start3A_117 = arith.constant 0 : i32
        %dma_start3A_118 = tpu.memref_slice %arg10[%dma_start3A_116, %dma_start3A_117] : memref<10240x128xf32, #tpu.memory_space<vmem_shared>> -> memref<10240x128xf32, #tpu.memory_space<vmem_shared>>
        tpu.enqueue_indirect_dma source(%dma_start3A_112 : memref<128x128xf32, #tpu.memory_space<vmem>>) target(%dma_start3A_118 : memref<10240x128xf32, #tpu.memory_space<vmem_shared>>) offsets(%dma_start3A_115 : memref<128xi32, #tpu.memory_space<vmem>>) semaphore(%run_scoped3A_108 : memref<!tpu.dma_semaphore, #tpu.memory_space<semaphore_mem>>) {add = true}
        %dma_wait3A_119 = arith.constant 0 : i32
        %dma_wait3A_120 = arith.constant 0 : i32
        %dma_wait3A_121 = tpu.memref_slice %arg9[%run_scoped3A, %dma_wait3A_119, %dma_wait3A_120] : memref<2x128x128xf32, #tpu.memory_space<vmem>> -> memref<1x128x128xf32, #tpu.memory_space<vmem>>
        %dma_wait3A_122 = tpu.memref_squeeze %dma_wait3A_121 : memref<1x128x128xf32, #tpu.memory_space<vmem>> -> memref<128x128xf32, #tpu.memory_space<vmem>>
        %dma_wait3A_123 = arith.constant 0 : i32
        %dma_wait3A_124 = tpu.memref_slice %arg8[%add3A_72, %dma_wait3A_123] : memref<40x128xi32, #tpu.memory_space<vmem>> -> memref<1x128xi32, #tpu.memory_space<vmem>>
        %dma_wait3A_125 = tpu.memref_squeeze %dma_wait3A_124 : memref<1x128xi32, #tpu.memory_space<vmem>> -> memref<128xi32, #tpu.memory_space<vmem>>
        %dma_wait3A_126 = arith.constant 0 : i32
        %dma_wait3A_127 = arith.constant 0 : i32
        %dma_wait3A_128 = tpu.memref_slice %arg10[%dma_wait3A_126, %dma_wait3A_127] : memref<10240x128xf32, #tpu.memory_space<vmem_shared>> -> memref<10240x128xf32, #tpu.memory_space<vmem_shared>>
        tpu.wait_indirect_dma semaphore(%run_scoped3A_108 : memref<!tpu.dma_semaphore, #tpu.memory_space<semaphore_mem>>) src(%dma_wait3A_122 : memref<128x128xf32, #tpu.memory_space<vmem>>) dst(%dma_wait3A_128 : memref<10240x128xf32, #tpu.memory_space<vmem_shared>>)
        tpu.yield
      }) : () -> ()
      %add3A_83 = arith.constant 2 : i32
      %add3A_84 = arith.addi %add3A_72, %add3A_83 : i32
      %lt3A = arith.constant 40 : i32
      %lt3A_85 = arith.cmpi slt, %add3A_84, %lt3A : i32
      %convert_element_type3A = arith.extui %lt3A_85 : i1 to i32
      %cond3A = arith.constant 0 : i32
      %cond3A_86 = arith.cmpi ne, %convert_element_type3A, %cond3A : i32
      scf.if %cond3A_86 {
        %add3A_108 = arith.constant 2 : i32
        %add3A_109 = arith.addi %add3A_72, %add3A_108 : i32
        %dma_start3A_110 = arith.constant 0 : i32
        %dma_start3A_111 = arith.constant 0 : i32
        %dma_start3A_112 = arith.constant 0 : i32
        %dma_start3A_113 = tpu.memref_slice %arg9[%dma_start3A_110, %dma_start3A_111, %dma_start3A_112] : memref<2x128x128xf32, #tpu.memory_space<vmem>> -> memref<1x128x128xf32, #tpu.memory_space<vmem>>
        %dma_start3A_114 = tpu.memref_squeeze %dma_start3A_113 : memref<1x128x128xf32, #tpu.memory_space<vmem>> -> memref<128x128xf32, #tpu.memory_space<vmem>>
        %dma_start3A_115 = arith.constant 0 : i32
        %dma_start3A_116 = tpu.memref_slice %arg7[%add3A_109, %dma_start3A_115] : memref<40x128xi32, #tpu.memory_space<vmem>> -> memref<1x128xi32, #tpu.memory_space<vmem>>
        %dma_start3A_117 = tpu.memref_squeeze %dma_start3A_116 : memref<1x128xi32, #tpu.memory_space<vmem>> -> memref<128xi32, #tpu.memory_space<vmem>>
        %dma_start3A_118 = arith.constant 0 : i32
        %dma_start3A_119 = arith.constant 0 : i32
        %dma_start3A_120 = tpu.memref_slice %arg2[%dma_start3A_118, %dma_start3A_119] : memref<10240x128xf32, #tpu.memory_space<hbm>> -> memref<10240x128xf32, #tpu.memory_space<hbm>>
        tpu.enqueue_indirect_dma source(%dma_start3A_120 : memref<10240x128xf32, #tpu.memory_space<hbm>>) target(%dma_start3A_114 : memref<128x128xf32, #tpu.memory_space<vmem>>) offsets(%dma_start3A_117 : memref<128xi32, #tpu.memory_space<vmem>>) semaphore(%arg11 : memref<!tpu.dma_semaphore, #tpu.memory_space<semaphore_mem>>)
      } else {
      }
      %add3A_87 = arith.constant 1 : i32
      %add3A_88 = arith.addi %mul3A_70, %add3A_87 : i32
      %dma_wait3A_89 = arith.constant 1 : i32
      %dma_wait3A_90 = arith.constant 0 : i32
      %dma_wait3A_91 = arith.constant 0 : i32
      %dma_wait3A_92 = tpu.memref_slice %arg9[%dma_wait3A_89, %dma_wait3A_90, %dma_wait3A_91] : memref<2x128x128xf32, #tpu.memory_space<vmem>> -> memref<1x128x128xf32, #tpu.memory_space<vmem>>
      %dma_wait3A_93 = tpu.memref_squeeze %dma_wait3A_92 : memref<1x128x128xf32, #tpu.memory_space<vmem>> -> memref<128x128xf32, #tpu.memory_space<vmem>>
      %dma_wait3A_94 = arith.constant 0 : i32
      %dma_wait3A_95 = tpu.memref_slice %arg7[%add3A_88, %dma_wait3A_94] : memref<40x128xi32, #tpu.memory_space<vmem>> -> memref<1x128xi32, #tpu.memory_space<vmem>>
      %dma_wait3A_96 = tpu.memref_squeeze %dma_wait3A_95 : memref<1x128xi32, #tpu.memory_space<vmem>> -> memref<128xi32, #tpu.memory_space<vmem>>
      %dma_wait3A_97 = arith.constant 0 : i32
      %dma_wait3A_98 = arith.constant 0 : i32
      %dma_wait3A_99 = tpu.memref_slice %arg2[%dma_wait3A_97, %dma_wait3A_98] : memref<10240x128xf32, #tpu.memory_space<hbm>> -> memref<10240x128xf32, #tpu.memory_space<hbm>>
      tpu.wait_indirect_dma semaphore(%arg12 : memref<!tpu.dma_semaphore, #tpu.memory_space<semaphore_mem>>) src(%dma_wait3A_99 : memref<10240x128xf32, #tpu.memory_space<hbm>>) dst(%dma_wait3A_93 : memref<128x128xf32, #tpu.memory_space<vmem>>)
      %run_scoped3A_100 = arith.constant 1 : i32
      "tpu.region"() ({
        %run_scoped3A_108 = tpu.sem_alloc : memref<!tpu.dma_semaphore, #tpu.memory_space<semaphore_mem>>
        %dma_start3A_109 = arith.constant 0 : i32
        %dma_start3A_110 = arith.constant 0 : i32
        %dma_start3A_111 = tpu.memref_slice %arg9[%run_scoped3A_100, %dma_start3A_109, %dma_start3A_110] : memref<2x128x128xf32, #tpu.memory_space<vmem>> -> memref<1x128x128xf32, #tpu.memory_space<vmem>>
        %dma_start3A_112 = tpu.memref_squeeze %dma_start3A_111 : memref<1x128x128xf32, #tpu.memory_space<vmem>> -> memref<128x128xf32, #tpu.memory_space<vmem>>
        %dma_start3A_113 = arith.constant 0 : i32
        %dma_start3A_114 = tpu.memref_slice %arg8[%add3A_88, %dma_start3A_113] : memref<40x128xi32, #tpu.memory_space<vmem>> -> memref<1x128xi32, #tpu.memory_space<vmem>>
        %dma_start3A_115 = tpu.memref_squeeze %dma_start3A_114 : memref<1x128xi32, #tpu.memory_space<vmem>> -> memref<128xi32, #tpu.memory_space<vmem>>
        %dma_start3A_116 = arith.constant 0 : i32
        %dma_start3A_117 = arith.constant 0 : i32
        %dma_start3A_118 = tpu.memref_slice %arg10[%dma_start3A_116, %dma_start3A_117] : memref<10240x128xf32, #tpu.memory_space<vmem_shared>> -> memref<10240x128xf32, #tpu.memory_space<vmem_shared>>
        tpu.enqueue_indirect_dma source(%dma_start3A_112 : memref<128x128xf32, #tpu.memory_space<vmem>>) target(%dma_start3A_118 : memref<10240x128xf32, #tpu.memory_space<vmem_shared>>) offsets(%dma_start3A_115 : memref<128xi32, #tpu.memory_space<vmem>>) semaphore(%run_scoped3A_108 : memref<!tpu.dma_semaphore, #tpu.memory_space<semaphore_mem>>) {add = true}
        %dma_wait3A_119 = arith.constant 0 : i32
        %dma_wait3A_120 = arith.constant 0 : i32
        %dma_wait3A_121 = tpu.memref_slice %arg9[%run_scoped3A_100, %dma_wait3A_119, %dma_wait3A_120] : memref<2x128x128xf32, #tpu.memory_space<vmem>> -> memref<1x128x128xf32, #tpu.memory_space<vmem>>
        %dma_wait3A_122 = tpu.memref_squeeze %dma_wait3A_121 : memref<1x128x128xf32, #tpu.memory_space<vmem>> -> memref<128x128xf32, #tpu.memory_space<vmem>>
        %dma_wait3A_123 = arith.constant 0 : i32
        %dma_wait3A_124 = tpu.memref_slice %arg8[%add3A_88, %dma_wait3A_123] : memref<40x128xi32, #tpu.memory_space<vmem>> -> memref<1x128xi32, #tpu.memory_space<vmem>>
        %dma_wait3A_125 = tpu.memref_squeeze %dma_wait3A_124 : memref<1x128xi32, #tpu.memory_space<vmem>> -> memref<128xi32, #tpu.memory_space<vmem>>
        %dma_wait3A_126 = arith.constant 0 : i32
        %dma_wait3A_127 = arith.constant 0 : i32
        %dma_wait3A_128 = tpu.memref_slice %arg10[%dma_wait3A_126, %dma_wait3A_127] : memref<10240x128xf32, #tpu.memory_space<vmem_shared>> -> memref<10240x128xf32, #tpu.memory_space<vmem_shared>>
        tpu.wait_indirect_dma semaphore(%run_scoped3A_108 : memref<!tpu.dma_semaphore, #tpu.memory_space<semaphore_mem>>) src(%dma_wait3A_122 : memref<128x128xf32, #tpu.memory_space<vmem>>) dst(%dma_wait3A_128 : memref<10240x128xf32, #tpu.memory_space<vmem_shared>>)
        tpu.yield
      }) : () -> ()
      %add3A_101 = arith.constant 2 : i32
      %add3A_102 = arith.addi %add3A_88, %add3A_101 : i32
      %lt3A_103 = arith.constant 40 : i32
      %lt3A_104 = arith.cmpi slt, %add3A_102, %lt3A_103 : i32
      %convert_element_type3A_105 = arith.extui %lt3A_104 : i1 to i32
      %cond3A_106 = arith.constant 0 : i32
      %cond3A_107 = arith.cmpi ne, %convert_element_type3A_105, %cond3A_106 : i32
      scf.if %cond3A_107 {
        %add3A_108 = arith.constant 2 : i32
        %add3A_109 = arith.addi %add3A_88, %add3A_108 : i32
        %dma_start3A_110 = arith.constant 1 : i32
        %dma_start3A_111 = arith.constant 0 : i32
        %dma_start3A_112 = arith.constant 0 : i32
        %dma_start3A_113 = tpu.memref_slice %arg9[%dma_start3A_110, %dma_start3A_111, %dma_start3A_112] : memref<2x128x128xf32, #tpu.memory_space<vmem>> -> memref<1x128x128xf32, #tpu.memory_space<vmem>>
        %dma_start3A_114 = tpu.memref_squeeze %dma_start3A_113 : memref<1x128x128xf32, #tpu.memory_space<vmem>> -> memref<128x128xf32, #tpu.memory_space<vmem>>
        %dma_start3A_115 = arith.constant 0 : i32
        %dma_start3A_116 = tpu.memref_slice %arg7[%add3A_109, %dma_start3A_115] : memref<40x128xi32, #tpu.memory_space<vmem>> -> memref<1x128xi32, #tpu.memory_space<vmem>>
        %dma_start3A_117 = tpu.memref_squeeze %dma_start3A_116 : memref<1x128xi32, #tpu.memory_space<vmem>> -> memref<128xi32, #tpu.memory_space<vmem>>
        %dma_start3A_118 = arith.constant 0 : i32
        %dma_start3A_119 = arith.constant 0 : i32
        %dma_start3A_120 = tpu.memref_slice %arg2[%dma_start3A_118, %dma_start3A_119] : memref<10240x128xf32, #tpu.memory_space<hbm>> -> memref<10240x128xf32, #tpu.memory_space<hbm>>
        tpu.enqueue_indirect_dma source(%dma_start3A_120 : memref<10240x128xf32, #tpu.memory_space<hbm>>) target(%dma_start3A_114 : memref<128x128xf32, #tpu.memory_space<vmem>>) offsets(%dma_start3A_117 : memref<128xi32, #tpu.memory_space<vmem>>) semaphore(%arg12 : memref<!tpu.dma_semaphore, #tpu.memory_space<semaphore_mem>>)
      } else {
      }
    }
    %scan3A_62 = arith.constant 20 : i32
    %barrier3A_63 = arith.constant 0 : index
    tpu.barrier barrier_id(%barrier3A_63)
    %mul3A_64 = arith.constant 640 : i32
    %mul3A_65 = arith.muli %arg1, %mul3A_64 : i32
    %mul3A_66 = arith.constant 640 : i32
    %mul3A_67 = arith.muli %arg1, %mul3A_66 : i32
    "tpu.region"() ({
      %run_scoped3A = tpu.sem_alloc : memref<!tpu.dma_semaphore, #tpu.memory_space<semaphore_mem>>
      %dma_start3A_68 = arith.constant 0 : i32
      %dma_start3A_69 = tpu.memref_slice %arg6[%arg0, %mul3A_67, %dma_start3A_68] : memref<2x10240x128xf32, #tpu.memory_space<hbm>> -> memref<1x640x128xf32, #tpu.memory_space<hbm>>
      %dma_start3A_70 = tpu.memref_squeeze %dma_start3A_69 : memref<1x640x128xf32, #tpu.memory_space<hbm>> -> memref<640x128xf32, #tpu.memory_space<hbm>>
      %dma_start3A_71 = arith.constant 0 : i32
      %dma_start3A_72 = tpu.memref_slice %arg10[%mul3A_65, %dma_start3A_71] : memref<10240x128xf32, #tpu.memory_space<vmem_shared>> -> memref<640x128xf32, #tpu.memory_space<vmem_shared>>
      tpu.enqueue_dma source(%dma_start3A_72 : memref<640x128xf32, #tpu.memory_space<vmem_shared>>) target(%dma_start3A_70 : memref<640x128xf32, #tpu.memory_space<hbm>>) target_semaphore(%run_scoped3A : memref<!tpu.dma_semaphore, #tpu.memory_space<semaphore_mem>>)
      %dma_wait3A = arith.constant 0 : i32
      %dma_wait3A_73 = tpu.memref_slice %arg6[%arg0, %mul3A_67, %dma_wait3A] : memref<2x10240x128xf32, #tpu.memory_space<hbm>> -> memref<1x640x128xf32, #tpu.memory_space<hbm>>
      %dma_wait3A_74 = tpu.memref_squeeze %dma_wait3A_73 : memref<1x640x128xf32, #tpu.memory_space<hbm>> -> memref<640x128xf32, #tpu.memory_space<hbm>>
      %dma_wait3A_75 = arith.constant 0 : i32
      %dma_wait3A_76 = tpu.memref_slice %arg10[%mul3A_65, %dma_wait3A_75] : memref<10240x128xf32, #tpu.memory_space<vmem_shared>> -> memref<640x128xf32, #tpu.memory_space<vmem_shared>>
      tpu.wait_dma2 semaphore(%run_scoped3A : memref<!tpu.dma_semaphore, #tpu.memory_space<semaphore_mem>>) src(%dma_wait3A_76 : memref<640x128xf32, #tpu.memory_space<vmem_shared>>) dst(%dma_wait3A_74 : memref<640x128xf32, #tpu.memory_space<hbm>>)
      tpu.yield
    }) : () -> ()
    return
  }
}

module attributes {stable_mosaic.version = 14 : i64} {
  func.func @_mm1_body(%arg0: i32, %arg1: memref<2x512x128xf32, #tpu.memory_space<vmem>>, %arg2: memref<512x128xf32, #tpu.memory_space<vmem>>, %arg3: memref<128x128xf32, #tpu.memory_space<vmem>>, %arg4: memref<512x128xf32, #tpu.memory_space<vmem>>) attributes {dimension_semantics = [#tpu.dimension_semantics<arbitrary>], iteration_bounds = array<i64: 20>, scalar_prefetch = 0 : i64, scratch_operands = 0 : i64, tpu.core_type = #tpu.core_type<tc>, window_params = [{transform_indices = @transform_0, window_bounds = array<i64: 2, 512, 128>}, {transform_indices = @transform_1, window_bounds = array<i64: 512, 128>}, {pipeline_mode = #tpu.pipeline_mode<synchronous>, transform_indices = @transform_2, window_bounds = array<i64: 128, 128>}, {transform_indices = @transform_3, window_bounds = array<i64: 512, 128>}]} {
    %get3A = arith.constant 0 : index
    %get3A_0 = arith.constant 0 : index
    %get3A_1 = arith.constant 0 : index
    %get3A_2 = vector.load %arg1[%get3A, %get3A_0, %get3A_1] : memref<2x512x128xf32, #tpu.memory_space<vmem>>, vector<2x512x128xf32>
    %slice3A = vector.extract_strided_slice %get3A_2 {offsets = [0, 0, 0], sizes = [1, 512, 1], strides = [1, 1, 1]} : vector<2x512x128xf32> to vector<1x512x1xf32>
    %squeeze3A = vector.shape_cast %slice3A : vector<1x512x1xf32> to vector<512x1xf32>
    %slice3A_3 = vector.extract_strided_slice %get3A_2 {offsets = [1, 0, 0], sizes = [1, 512, 1], strides = [1, 1, 1]} : vector<2x512x128xf32> to vector<1x512x1xf32>
    %squeeze3A_4 = vector.shape_cast %slice3A_3 : vector<1x512x1xf32> to vector<512x1xf32>
    %add3A = arith.addf %squeeze3A, %squeeze3A_4 : vector<512x1xf32>
    %add3A_5 = arith.constant 1.000000e+00 : f32
    %add3A_6 = vector.broadcast %add3A_5 : f32 to vector<512x1xf32>
    %add3A_7 = arith.addf %add3A, %add3A_6 : vector<512x1xf32>
    %rsqrt3A = math.rsqrt %add3A_7 : vector<512x1xf32>
    %get3A_8 = arith.constant 0 : index
    %get3A_9 = arith.constant 0 : index
    %get3A_10 = vector.load %arg2[%get3A_8, %get3A_9] : memref<512x128xf32, #tpu.memory_space<vmem>>, vector<512x128xf32>
    %get3A_11 = arith.constant 0 : index
    %get3A_12 = arith.constant 0 : index
    %get3A_13 = vector.load %arg3[%get3A_11, %get3A_12] : memref<128x128xf32, #tpu.memory_space<vmem>>, vector<128x128xf32>
    %dot_general3A = arith.constant dense<0.000000e+00> : vector<512x128xf32>
    %dot_general3A_14 = tpu.matmul %get3A_10, %get3A_13, %dot_general3A {dimension_numbers = #tpu.dot_dimension_numbers<[1], [0], [0], [1], [0, 0, 1, 1], [], []>, transpose_lhs_hint = false} : vector<512x128xf32>, vector<128x128xf32>, vector<512x128xf32> -> vector<512x128xf32>
    %mul3A = vector.broadcast %rsqrt3A : vector<512x1xf32> to vector<512x128xf32>
    %mul3A_15 = arith.mulf %dot_general3A_14, %mul3A : vector<512x128xf32>
    %swap3A = arith.constant 0 : index
    %swap3A_16 = arith.constant 0 : index
    %swap3A_17 = vector.load %arg4[%swap3A, %swap3A_16] : memref<512x128xf32, #tpu.memory_space<vmem>>, vector<512x128xf32>
    tpu.vector_store %arg4[%swap3A, %swap3A_16], %mul3A_15 {strides = array<i32>} : memref<512x128xf32, #tpu.memory_space<vmem>>, vector<512x128xf32>,
    return
  }
  func.func @transform_0(%arg0: i32) -> (i32, i32, i32) {
    %c0_i32 = arith.constant 0 : i32
    %c0_i32_0 = arith.constant 0 : i32
    %c0_i32_1 = arith.constant 0 : i32
    return %c0_i32, %arg0, %c0_i32_0 : i32, i32, i32
  }
  func.func @transform_1(%arg0: i32) -> (i32, i32) {
    %c0_i32 = arith.constant 0 : i32
    %c0_i32_0 = arith.constant 0 : i32
    return %arg0, %c0_i32 : i32, i32
  }
  func.func @transform_2(%arg0: i32) -> (i32, i32) {
    %c0_i32 = arith.constant 0 : i32
    %c0_i32_0 = arith.constant 0 : i32
    %c0_i32_1 = arith.constant 0 : i32
    return %c0_i32, %c0_i32_0 : i32, i32
  }
  func.func @transform_3(%arg0: i32) -> (i32, i32) {
    %c0_i32 = arith.constant 0 : i32
    %c0_i32_0 = arith.constant 0 : i32
    return %arg0, %c0_i32 : i32, i32
  }
}

module attributes {stable_mosaic.version = 14 : i64} {
  func.func @_mm2_body(%arg0: i32, %arg1: memref<2x512x128xf32, #tpu.memory_space<vmem>>, %arg2: memref<2x512x128xf32, #tpu.memory_space<vmem>>, %arg3: memref<512x128xf32, #tpu.memory_space<vmem>>, %arg4: memref<1x128xf32, #tpu.memory_space<vmem>>, %arg5: memref<128x128xf32, #tpu.memory_space<vmem>>, %arg6: memref<512x128xf32, #tpu.memory_space<vmem>>) attributes {dimension_semantics = [#tpu.dimension_semantics<arbitrary>], iteration_bounds = array<i64: 20>, scalar_prefetch = 0 : i64, scratch_operands = 0 : i64, tpu.core_type = #tpu.core_type<tc>, window_params = [{transform_indices = @transform_0, window_bounds = array<i64: 2, 512, 128>}, {transform_indices = @transform_1, window_bounds = array<i64: 2, 512, 128>}, {transform_indices = @transform_2, window_bounds = array<i64: 512, 128>}, {pipeline_mode = #tpu.pipeline_mode<synchronous>, transform_indices = @transform_3, window_bounds = array<i64: 1, 128>}, {pipeline_mode = #tpu.pipeline_mode<synchronous>, transform_indices = @transform_4, window_bounds = array<i64: 128, 128>}, {transform_indices = @transform_5, window_bounds = array<i64: 512, 128>}]} {
    %get3A = arith.constant 0 : index
    %get3A_0 = arith.constant 0 : index
    %get3A_1 = arith.constant 0 : index
    %get3A_2 = vector.load %arg1[%get3A, %get3A_0, %get3A_1] : memref<2x512x128xf32, #tpu.memory_space<vmem>>, vector<2x512x128xf32>
    %slice3A = vector.extract_strided_slice %get3A_2 {offsets = [0, 0, 0], sizes = [1, 512, 1], strides = [1, 1, 1]} : vector<2x512x128xf32> to vector<1x512x1xf32>
    %squeeze3A = vector.shape_cast %slice3A : vector<1x512x1xf32> to vector<512x1xf32>
    %slice3A_3 = vector.extract_strided_slice %get3A_2 {offsets = [1, 0, 0], sizes = [1, 512, 1], strides = [1, 1, 1]} : vector<2x512x128xf32> to vector<1x512x1xf32>
    %squeeze3A_4 = vector.shape_cast %slice3A_3 : vector<1x512x1xf32> to vector<512x1xf32>
    %add3A = arith.addf %squeeze3A, %squeeze3A_4 : vector<512x1xf32>
    %add3A_5 = arith.constant 1.000000e+00 : f32
    %add3A_6 = vector.broadcast %add3A_5 : f32 to vector<512x1xf32>
    %add3A_7 = arith.addf %add3A, %add3A_6 : vector<512x1xf32>
    %rsqrt3A = math.rsqrt %add3A_7 : vector<512x1xf32>
    %get3A_8 = arith.constant 0 : index
    %get3A_9 = arith.constant 0 : index
    %get3A_10 = arith.constant 0 : index
    %get3A_11 = vector.load %arg2[%get3A_8, %get3A_9, %get3A_10] : memref<2x512x128xf32, #tpu.memory_space<vmem>>, vector<2x512x128xf32>
    %slice3A_12 = vector.extract_strided_slice %get3A_11 {offsets = [0, 0, 0], sizes = [1, 512, 128], strides = [1, 1, 1]} : vector<2x512x128xf32> to vector<1x512x128xf32>
    %squeeze3A_13 = vector.shape_cast %slice3A_12 : vector<1x512x128xf32> to vector<512x128xf32>
    %slice3A_14 = vector.extract_strided_slice %get3A_11 {offsets = [1, 0, 0], sizes = [1, 512, 128], strides = [1, 1, 1]} : vector<2x512x128xf32> to vector<1x512x128xf32>
    %squeeze3A_15 = vector.shape_cast %slice3A_14 : vector<1x512x128xf32> to vector<512x128xf32>
    %add3A_16 = arith.addf %squeeze3A_13, %squeeze3A_15 : vector<512x128xf32>
    %get3A_17 = arith.constant 0 : index
    %get3A_18 = arith.constant 0 : index
    %get3A_19 = vector.load %arg3[%get3A_17, %get3A_18] : memref<512x128xf32, #tpu.memory_space<vmem>>, vector<512x128xf32>
    %add3A_20 = arith.addf %add3A_16, %get3A_19 : vector<512x128xf32>
    %mul3A = vector.broadcast %rsqrt3A : vector<512x1xf32> to vector<512x128xf32>
    %mul3A_21 = arith.mulf %add3A_20, %mul3A : vector<512x128xf32>
    %get3A_22 = arith.constant 0 : index
    %get3A_23 = arith.constant 0 : index
    %get3A_24 = vector.load %arg4[%get3A_22, %get3A_23] : memref<1x128xf32, #tpu.memory_space<vmem>>, vector<1x128xf32>
    %add3A_25 = vector.broadcast %get3A_24 : vector<1x128xf32> to vector<512x128xf32>
    %add3A_26 = arith.addf %mul3A_21, %add3A_25 : vector<512x128xf32>
    %max3A = arith.constant 0.000000e+00 : f32
    %max3A_27 = vector.broadcast %max3A : f32 to vector<512x128xf32>
    %max3A_28 = arith.maximumf %add3A_26, %max3A_27 : vector<512x128xf32>
    %get3A_29 = arith.constant 0 : index
    %get3A_30 = arith.constant 0 : index
    %get3A_31 = vector.load %arg5[%get3A_29, %get3A_30] : memref<128x128xf32, #tpu.memory_space<vmem>>, vector<128x128xf32>
    %dot_general3A = arith.constant dense<0.000000e+00> : vector<512x128xf32>
    %dot_general3A_32 = tpu.matmul %max3A_28, %get3A_31, %dot_general3A {dimension_numbers = #tpu.dot_dimension_numbers<[1], [0], [0], [1], [0, 0, 1, 1], [], []>, transpose_lhs_hint = false} : vector<512x128xf32>, vector<128x128xf32>, vector<512x128xf32> -> vector<512x128xf32>
    %mul3A_33 = vector.broadcast %rsqrt3A : vector<512x1xf32> to vector<512x128xf32>
    %mul3A_34 = arith.mulf %dot_general3A_32, %mul3A_33 : vector<512x128xf32>
    %swap3A = arith.constant 0 : index
    %swap3A_35 = arith.constant 0 : index
    %swap3A_36 = vector.load %arg6[%swap3A, %swap3A_35] : memref<512x128xf32, #tpu.memory_space<vmem>>, vector<512x128xf32>
    tpu.vector_store %arg6[%swap3A, %swap3A_35], %mul3A_34 {strides = array<i32>} : memref<512x128xf32, #tpu.memory_space<vmem>>, vector<512x128xf32>,
    return
  }
  func.func @transform_0(%arg0: i32) -> (i32, i32, i32) {
    %c0_i32 = arith.constant 0 : i32
    %c0_i32_0 = arith.constant 0 : i32
    %c0_i32_1 = arith.constant 0 : i32
    return %c0_i32, %arg0, %c0_i32_0 : i32, i32, i32
  }
  func.func @transform_1(%arg0: i32) -> (i32, i32, i32) {
    %c0_i32 = arith.constant 0 : i32
    %c0_i32_0 = arith.constant 0 : i32
    %c0_i32_1 = arith.constant 0 : i32
    return %c0_i32, %arg0, %c0_i32_0 : i32, i32, i32
  }
  func.func @transform_2(%arg0: i32) -> (i32, i32) {
    %c0_i32 = arith.constant 0 : i32
    %c0_i32_0 = arith.constant 0 : i32
    return %arg0, %c0_i32 : i32, i32
  }
  func.func @transform_3(%arg0: i32) -> (i32, i32) {
    %c0_i32 = arith.constant 0 : i32
    %c0_i32_0 = arith.constant 0 : i32
    %c0_i32_1 = arith.constant 0 : i32
    return %c0_i32, %c0_i32_0 : i32, i32
  }
  func.func @transform_4(%arg0: i32) -> (i32, i32) {
    %c0_i32 = arith.constant 0 : i32
    %c0_i32_0 = arith.constant 0 : i32
    %c0_i32_1 = arith.constant 0 : i32
    return %c0_i32, %c0_i32_0 : i32, i32
  }
  func.func @transform_5(%arg0: i32) -> (i32, i32) {
    %c0_i32 = arith.constant 0 : i32
    %c0_i32_0 = arith.constant 0 : i32
    return %arg0, %c0_i32 : i32, i32
  }
}

module attributes {stable_mosaic.version = 14 : i64} {
  func.func @_mm3_body(%arg0: i32, %arg1: memref<2x512x128xf32, #tpu.memory_space<vmem>>, %arg2: memref<2x512x128xf32, #tpu.memory_space<vmem>>, %arg3: memref<512x128xf32, #tpu.memory_space<vmem>>, %arg4: memref<1x128xf32, #tpu.memory_space<vmem>>, %arg5: memref<128x40xf32, #tpu.memory_space<vmem>>, %arg6: memref<1x40xf32, #tpu.memory_space<vmem>>, %arg7: memref<512x128xf32, #tpu.memory_space<vmem>>, %arg8: memref<512x40xf32, #tpu.memory_space<vmem>>) attributes {dimension_semantics = [#tpu.dimension_semantics<arbitrary>], iteration_bounds = array<i64: 20>, scalar_prefetch = 0 : i64, scratch_operands = 0 : i64, tpu.core_type = #tpu.core_type<tc>, window_params = [{transform_indices = @transform_0, window_bounds = array<i64: 2, 512, 128>}, {transform_indices = @transform_1, window_bounds = array<i64: 2, 512, 128>}, {transform_indices = @transform_2, window_bounds = array<i64: 512, 128>}, {pipeline_mode = #tpu.pipeline_mode<synchronous>, transform_indices = @transform_3, window_bounds = array<i64: 1, 128>}, {pipeline_mode = #tpu.pipeline_mode<synchronous>, transform_indices = @transform_4, window_bounds = array<i64: 128, 40>}, {pipeline_mode = #tpu.pipeline_mode<synchronous>, transform_indices = @transform_5, window_bounds = array<i64: 1, 40>}, {transform_indices = @transform_6, window_bounds = array<i64: 512, 128>}, {transform_indices = @transform_7, window_bounds = array<i64: 512, 40>}]} {
    %get3A = arith.constant 0 : index
    %get3A_0 = arith.constant 0 : index
    %get3A_1 = arith.constant 0 : index
    %get3A_2 = vector.load %arg1[%get3A, %get3A_0, %get3A_1] : memref<2x512x128xf32, #tpu.memory_space<vmem>>, vector<2x512x128xf32>
    %slice3A = vector.extract_strided_slice %get3A_2 {offsets = [0, 0, 0], sizes = [1, 512, 1], strides = [1, 1, 1]} : vector<2x512x128xf32> to vector<1x512x1xf32>
    %squeeze3A = vector.shape_cast %slice3A : vector<1x512x1xf32> to vector<512x1xf32>
    %slice3A_3 = vector.extract_strided_slice %get3A_2 {offsets = [1, 0, 0], sizes = [1, 512, 1], strides = [1, 1, 1]} : vector<2x512x128xf32> to vector<1x512x1xf32>
    %squeeze3A_4 = vector.shape_cast %slice3A_3 : vector<1x512x1xf32> to vector<512x1xf32>
    %add3A = arith.addf %squeeze3A, %squeeze3A_4 : vector<512x1xf32>
    %add3A_5 = arith.constant 1.000000e+00 : f32
    %add3A_6 = vector.broadcast %add3A_5 : f32 to vector<512x1xf32>
    %add3A_7 = arith.addf %add3A, %add3A_6 : vector<512x1xf32>
    %rsqrt3A = math.rsqrt %add3A_7 : vector<512x1xf32>
    %get3A_8 = arith.constant 0 : index
    %get3A_9 = arith.constant 0 : index
    %get3A_10 = arith.constant 0 : index
    %get3A_11 = vector.load %arg2[%get3A_8, %get3A_9, %get3A_10] : memref<2x512x128xf32, #tpu.memory_space<vmem>>, vector<2x512x128xf32>
    %slice3A_12 = vector.extract_strided_slice %get3A_11 {offsets = [0, 0, 0], sizes = [1, 512, 128], strides = [1, 1, 1]} : vector<2x512x128xf32> to vector<1x512x128xf32>
    %squeeze3A_13 = vector.shape_cast %slice3A_12 : vector<1x512x128xf32> to vector<512x128xf32>
    %slice3A_14 = vector.extract_strided_slice %get3A_11 {offsets = [1, 0, 0], sizes = [1, 512, 128], strides = [1, 1, 1]} : vector<2x512x128xf32> to vector<1x512x128xf32>
    %squeeze3A_15 = vector.shape_cast %slice3A_14 : vector<1x512x128xf32> to vector<512x128xf32>
    %add3A_16 = arith.addf %squeeze3A_13, %squeeze3A_15 : vector<512x128xf32>
    %get3A_17 = arith.constant 0 : index
    %get3A_18 = arith.constant 0 : index
    %get3A_19 = vector.load %arg3[%get3A_17, %get3A_18] : memref<512x128xf32, #tpu.memory_space<vmem>>, vector<512x128xf32>
    %add3A_20 = arith.addf %add3A_16, %get3A_19 : vector<512x128xf32>
    %mul3A = vector.broadcast %rsqrt3A : vector<512x1xf32> to vector<512x128xf32>
    %mul3A_21 = arith.mulf %add3A_20, %mul3A : vector<512x128xf32>
    %get3A_22 = arith.constant 0 : index
    %get3A_23 = arith.constant 0 : index
    %get3A_24 = vector.load %arg4[%get3A_22, %get3A_23] : memref<1x128xf32, #tpu.memory_space<vmem>>, vector<1x128xf32>
    %add3A_25 = vector.broadcast %get3A_24 : vector<1x128xf32> to vector<512x128xf32>
    %add3A_26 = arith.addf %mul3A_21, %add3A_25 : vector<512x128xf32>
    %max3A = arith.constant 0.000000e+00 : f32
    %max3A_27 = vector.broadcast %max3A : f32 to vector<512x128xf32>
    %max3A_28 = arith.maximumf %add3A_26, %max3A_27 : vector<512x128xf32>
    %swap3A = arith.constant 0 : index
    %swap3A_29 = arith.constant 0 : index
    %swap3A_30 = vector.load %arg7[%swap3A, %swap3A_29] : memref<512x128xf32, #tpu.memory_space<vmem>>, vector<512x128xf32>
    tpu.vector_store %arg7[%swap3A, %swap3A_29], %max3A_28 {strides = array<i32>} : memref<512x128xf32, #tpu.memory_space<vmem>>, vector<512x128xf32>,
    %get3A_31 = arith.constant 0 : index
    %get3A_32 = arith.constant 0 : index
    %get3A_33 = vector.load %arg5[%get3A_31, %get3A_32] : memref<128x40xf32, #tpu.memory_space<vmem>>, vector<128x40xf32>
    %dot_general3A = arith.constant dense<0.000000e+00> : vector<512x40xf32>
    %dot_general3A_34 = tpu.matmul %max3A_28, %get3A_33, %dot_general3A {dimension_numbers = #tpu.dot_dimension_numbers<[1], [0], [0], [1], [0, 0, 1, 1], [], []>, transpose_lhs_hint = false} : vector<512x128xf32>, vector<128x40xf32>, vector<512x40xf32> -> vector<512x40xf32>
    %get3A_35 = arith.constant 0 : index
    %get3A_36 = arith.constant 0 : index
    %get3A_37 = vector.load %arg6[%get3A_35, %get3A_36] : memref<1x40xf32, #tpu.memory_space<vmem>>, vector<1x40xf32>
    %add3A_38 = vector.broadcast %get3A_37 : vector<1x40xf32> to vector<512x40xf32>
    %add3A_39 = arith.addf %dot_general3A_34, %add3A_38 : vector<512x40xf32>
    %swap3A_40 = arith.constant 0 : index
    %swap3A_41 = arith.constant 0 : index
    %swap3A_42 = vector.load %arg8[%swap3A_40, %swap3A_41] : memref<512x40xf32, #tpu.memory_space<vmem>>, vector<512x40xf32>
    tpu.vector_store %arg8[%swap3A_40, %swap3A_41], %add3A_39 {strides = array<i32>} : memref<512x40xf32, #tpu.memory_space<vmem>>, vector<512x40xf32>,
    return
  }
  func.func @transform_0(%arg0: i32) -> (i32, i32, i32) {
    %c0_i32 = arith.constant 0 : i32
    %c0_i32_0 = arith.constant 0 : i32
    %c0_i32_1 = arith.constant 0 : i32
    return %c0_i32, %arg0, %c0_i32_0 : i32, i32, i32
  }
  func.func @transform_1(%arg0: i32) -> (i32, i32, i32) {
    %c0_i32 = arith.constant 0 : i32
    %c0_i32_0 = arith.constant 0 : i32
    %c0_i32_1 = arith.constant 0 : i32
    return %c0_i32, %arg0, %c0_i32_0 : i32, i32, i32
  }
  func.func @transform_2(%arg0: i32) -> (i32, i32) {
    %c0_i32 = arith.constant 0 : i32
    %c0_i32_0 = arith.constant 0 : i32
    return %arg0, %c0_i32 : i32, i32
  }
  func.func @transform_3(%arg0: i32) -> (i32, i32) {
    %c0_i32 = arith.constant 0 : i32
    %c0_i32_0 = arith.constant 0 : i32
    %c0_i32_1 = arith.constant 0 : i32
    return %c0_i32, %c0_i32_0 : i32, i32
  }
  func.func @transform_4(%arg0: i32) -> (i32, i32) {
    %c0_i32 = arith.constant 0 : i32
    %c0_i32_0 = arith.constant 0 : i32
    %c0_i32_1 = arith.constant 0 : i32
    return %c0_i32, %c0_i32_0 : i32, i32
  }
  func.func @transform_5(%arg0: i32) -> (i32, i32) {
    %c0_i32 = arith.constant 0 : i32
    %c0_i32_0 = arith.constant 0 : i32
    %c0_i32_1 = arith.constant 0 : i32
    return %c0_i32, %c0_i32_0 : i32, i32
  }
  func.func @transform_6(%arg0: i32) -> (i32, i32) {
    %c0_i32 = arith.constant 0 : i32
    %c0_i32_0 = arith.constant 0 : i32
    return %arg0, %c0_i32 : i32, i32
  }
  func.func @transform_7(%arg0: i32) -> (i32, i32) {
    %c0_i32 = arith.constant 0 : i32
    %c0_i32_0 = arith.constant 0 : i32
    return %arg0, %c0_i32 : i32, i32
  }
}

</mosaic_0001>

<sc_bundles>
// kernel: kernel.11.cloned.1.call-start
scs
__scs_entry_jumppad:
0x0: {  	(pc) =	sbr.rel $0x88, $3  }
0x1: {  	(tag) =	ssettag $0x0;
	lr =	simm.s32 $0x1  }
0x2: {  	[smem:$0x3F99] =	sst lr;
	_ =	strace $0xD0000000  }
0x3: {  	_ = 	snop  }
0x4: {  	_ = 	snop  }
0x5: {  	_ = 	snop  }
0x6: {  	_ = 	snop  }
0x7: {  	_ = 	snop  }
__scs_overlays_trampoline_lowered:
0x8: {  	[smem:$0x3FA8] =	sst s0  }
0x9: {  	[smem:$0x3FA9] =	sst s1  }
0xa: {  	[smem:$0x3FAA] =	sst s2  }
0xb: {  	[smem:$0x3FAB] =	sst s3  }
0xc: {  	[smem:$0x3FAC] =	sst s4  }
0xd: {  	[smem:$0x3FAD] =	sst s5  }
0xe: {  	[smem:$0x3FAE] =	sst s6  }
0xf: {  	[smem:$0x3FAF] =	sst s7  }
0x10: {  	[smem:$0x3FB0] =	sst s8  }
0x11: {  	[smem:$0x3FB1] =	sst s9;
	s0 =	simm.s32 @!p0 $0x0  }
0x12: {  	s1 =	sld [smem:$0x3F97];
	s0 =	simm.s32 @p0 $0x1  }
0x13: {  	[smem:$0x3FB2] =	sst s0;
	s0 =	simm.s32 @!p1 $0x0  }
0x14: {  	s2 =	sld [smem:$0x3F96];
	s0 =	simm.s32 @p1 $0x1  }
0x15: {  	[smem:$0x3FB3] =	sst s0;
	s0 =	simm.s32 @!p2 $0x0  }
0x16: {  	s3 =	sld [smem:$0x3FDB];
	s0 =	simm.s32 @p2 $0x1  }
0x17: {  	s4 =	simm.s32 $0x1BF5;
	[smem:$0x3FB5] =	sst s0  }
0x18: {  	s0 =	sld [smem:$0x3F98];
	_ =	swait.ge [sflag:s4], $0x0  }
0x19: {  	s7 =	sld [smem:$0x3F99]  }
0x1a: {  	s8 =	sadd.s32 $0xFFFFE003, lr  }
0x1b: {  	s9 =	sadd.s32 $0xFFFFFEF7, lr;
	s5 =	simm.s32 $0xFFFFFFFF;
	p2 =	slt.u32 s8, $0xFFFFF086  }
0x1c: {  	p1 =	slt.u32 s9, $0xF7A;
	s5 =	simm.s32 @!p2 $0x0  }
0x1d: {  	s5 =	simm.s32 @p1 $0x1;
	p0 =	seq.s32 s7, s2  }
0x1e: {  	s7 =	smul.u32 @!p0 $0xF7A, s2;
	p2 =	seq.s32 @!p0 s5, $0x0  }
0x1f: {  	s9 =	smul.u32 $0xF7A, s1;
	s8 =	simm.s32 @!p0 $0x1BF5;
	p2 =	por !p2, p0  }
0x20: {  	[sflag:s8] =	ssyncset.s32 @!p0 $0xFFFFF086;
	s6 =	sadd.s32 @!p0 s3, s7;
	s7 =	simm.s32 @!p0 $0x108  }
0x21: {  	s3 =	sadd.s32 s3, s9;
	s6 =	sadd.s32 @!p0 $0x88, s6;
	s7 =	simm.s32 @p2 $0x1082  }
0x22: {  	[simem:s7], [sflag:s8] =	dma.local @!p0 [hbm:s6], $0xF7A  }
0x23: {  	s9 =	sor.u32 $0xD0000000, s2;
	s6 =	simm.s32 $0x108;
	_ =	swait.ge @!p0 [sflag:s8], $0x0  }
0x24: {  	s3 =	sadd.s32 $0x88, s3;
	s6 =	simm.s32 @!p1 $0x1082;
	[sflag:s4] =	ssyncset.s32 $0xFFFFF086  }
0x25: {  	[simem:s6], [sflag:s4] =	dma.local [hbm:s3], $0xF7A  }
0x26: {  	[smem:$0x3F99] =	sst s1;
	(tag) =	ssettag s2;
	_ =	strace s9  }
0x27: {  	s1 =	sld [smem:$0x3FA9]  }
0x28: {  	s2 =	sld [smem:$0x3FAA]  }
0x29: {  	s4 =	sld [smem:$0x3FAC]  }
0x2a: {  	p0 =	seq.s32 s5, $0x0;
	s5 =	sld [smem:$0x3FAD]  }
0x2b: {  	s6 =	sld [smem:$0x3FAE]  }
0x2c: {  	s7 =	sld [smem:$0x3FAF]  }
0x2d: {  	s3 =	simm.s32 $0x108;
	s8 =	sld [smem:$0x3FB0]  }
0x2e: {  	s3 =	simm.s32 @!p0 $0x1082;
	s9 =	sld [smem:$0x3FB1]  }
0x2f: {  	lr =	sadd.s32 s0, s3;
	s0 =	sld [smem:$0x3FA8]  }
0x30: {  	s3 =	sld [smem:$0x3FAB]  }
0x31: {  	[smem:$0x3FB4] =	sst s10  }
0x32: {  	s10 =	sld [smem:$0x3FB2];
	_ =	sdelay $0x3  }
0x33: {  	p0 =	seq.s32 s10, $0x1;
	s10 =	sld [smem:$0x3FB4];
	_ =	sdelay $0x3  }
0x34: {  	[smem:$0x3FB4] =	sst s10  }
0x35: {  	s10 =	sld [smem:$0x3FB3];
	_ =	sdelay $0x3  }
0x36: {  	p1 =	seq.s32 s10, $0x1;
	s10 =	sld [smem:$0x3FB4];
	_ =	sdelay $0x3  }
0x37: {  	[smem:$0x3FB4] =	sst s10  }
0x38: {  	s10 =	sld [smem:$0x3FB5]  }
0x39: {  	_ = 	snop;
	(pc) =	sbr.ind lr, $3  }
0x3a: {  	_ = 	snop  }
0x3b: {  	_ = 	snop  }
0x3c: {  	p2 =	seq.s32 s10, $0x1;
	s10 =	sld [smem:$0x3FB4]  }
0x3d: {  	_ =	shalt  }
0x3e: {  	_ =	shalt  }
0x3f: {  	_ =	shalt  }
0x40: {  	_ =	shalt  }
0x41: {  	_ =	shalt  }
0x42: {  	_ =	shalt  }
0x43: {  	_ =	shalt  }
0x44: {  	_ =	shalt  }
0x45: {  	_ =	shalt  }
0x46: {  	_ =	shalt  }
0x47: {  	_ =	shalt  }
0x48: {  	_ =	shalt  }
0x49: {  	_ =	shalt  }
0x4a: {  	_ =	shalt  }
0x4b: {  	_ =	shalt  }
0x4c: {  	_ =	shalt  }
0x4d: {  	_ =	shalt  }
0x4e: {  	_ =	shalt  }
0x4f: {  	_ =	shalt  }
0x50: {  	_ =	shalt  }
0x51: {  	_ =	shalt  }
0x52: {  	_ =	shalt  }
0x53: {  	_ =	shalt  }
0x54: {  	_ =	shalt  }
0x55: {  	_ =	shalt  }
0x56: {  	_ =	shalt  }
0x57: {  	_ =	shalt  }
0x58: {  	_ =	shalt  }
0x59: {  	_ =	shalt  }
0x5a: {  	_ =	shalt  }
0x5b: {  	_ =	shalt  }
0x5c: {  	_ =	shalt  }
0x5d: {  	_ =	shalt  }
0x5e: {  	_ =	shalt  }
0x5f: {  	_ =	shalt  }
0x60: {  	_ =	shalt  }
0x61: {  	_ =	shalt  }
0x62: {  	_ =	shalt  }
0x63: {  	_ =	shalt  }
0x64: {  	_ =	shalt  }
0x65: {  	_ =	shalt  }
0x66: {  	_ =	shalt  }
0x67: {  	_ =	shalt  }
0x68: {  	_ =	shalt  }
0x69: {  	_ =	shalt  }
0x6a: {  	_ =	shalt  }
0x6b: {  	_ =	shalt  }
0x6c: {  	_ =	shalt  }
0x6d: {  	_ =	shalt  }
0x6e: {  	_ =	shalt  }
0x6f: {  	_ =	shalt  }
0x70: {  	_ =	shalt  }
0x71: {  	_ =	shalt  }
0x72: {  	_ =	shalt  }
0x73: {  	_ =	shalt  }
0x74: {  	_ =	shalt  }
0x75: {  	_ =	shalt  }
0x76: {  	_ =	shalt  }
0x77: {  	_ =	shalt  }
0x78: {  	_ =	shalt  }
0x79: {  	_ =	shalt  }
0x7a: {  	_ =	shalt  }
0x7b: {  	_ =	shalt  }
0x7c: {  	_ =	shalt  }
0x7d: {  	_ =	shalt  }
0x7e: {  	_ =	shalt  }
0x7f: {  	_ =	shalt  }
0x80: {  	_ =	shalt  }
0x81: {  	_ =	shalt  }
0x82: {  	_ =	shalt  }
0x83: {  	_ =	shalt  }
0x84: {  	_ =	shalt  }
0x85: {  	_ =	shalt  }
0x86: {  	_ =	shalt  }
0x87: {  	_ =	shalt  }
.Lfunc_end0:
.L_simem_size_0:
called_computation.1_lowered:
.L_overlay_start_0:
0x88: {  	s2 =	sld [smem:$0x3FD9]  }
0x89: {  	s3 =	sld [smem:$0x3FFE];
	_ =	sdelay $0x1  }
0x8a: {  	s1 =	srdreg.scid  }
0x8b: {  	s0 =	sand.u32 $0x1, s1  }
0x8c: {  	s14 =	sshll.u32 s0, $0xA;
	s2 =	sadd.s32 s3, s2  }
0x8d: {  	s2 =	sadd.s32 s2, s14  }
0x8e: {  	[smem:$0x3FC0] =	sst s2  }
0x8f: {  	_ = 	snop  }
0x90: {  	s2 =	sld [smem:$0x3FD0];
	_ =	sdelay $0x2  }
0x91: {  	s15 =	simm.s32 $0xA;
	s4 =	simm.s32 $0x10  }
0x92: {  	[smem:s4], [sflag:s15] =	dma.local [hbm:s2], $0x1  }
0x93: {  	_ =	swait.eq [sflag:s15], $0x1  }
0x94: {  	[sflag:s15] =	ssyncset.done $0x0  }
0x95: {  	s16 =	sld [smem:$0x10];
	[sflag:s15] =	ssyncadd.s32 $0xFFFFFFFF  }
0x96: {  	s17 =	sld [smem:$0x11];
	(tm) =	ssettm $0x1  }
0x97: {  	s18 =	sld [smem:$0x3FFB];
	_ =	sdelay $0x3  }
0x98: {  	_ =	strace s18  }
0x99: {  	s4 =	sld [smem:$0x3FFC];
	_ =	sdelay $0x3  }
0x9a: {  	_ =	strace s4  }
0x9b: {  	s4 =	sld [smem:$0x3FFD];
	_ =	sdelay $0x3  }
0x9c: {  	_ =	strace s4  }
0x9d: {  	_ =	strace $0x8FFFFFFF  }
0x9e: {  	s19 =	sld [smem:$0x3FDB];
	_ =	sdelay $0x1  }
0x9f: {  	s5 =	simm.s32 $_scs_section_size  }
0xa0: {  	s6 =	simm.s32 $_size__tile_overlayer_lowered;
	s7 =	simm.s32 $_tile_overlayer_lowered  }
0xa1: {  	s22 =	simm.s32 $0x1BFF;
	s21 =	sshll.u32 s7, $0x1;
	s4 =	sadd.s32 s5, s19  }
0xa2: {  	s8 =	simm.s32 $0x0;
	s20 =	sshll.u32 s6, $0x1;
	s6 =	sadd.s32 s21, s4  }
0xa3: {  	[timem:s8], [sflag:s22] =	dma.local [hbm:s6], s20  }
0xa4: {  	_ =	swait.ge [sflag:s22], s20  }
0xa5: {  	s5 =	ssub.s32 $0x0, s20;
	[sflag:s22] =	ssyncset.done $0x0  }
0xa6: {  	[sflag:s22] =	ssyncadd.s32 s5;
	_ =	sdelay $0x1  }
0xa7: {  	s23 =	simm.s32 $0x1B8B  }
0xa8: {  	_ =	swait.ge [sflag:s23], $0x1  }
0xa9: {  	[sflag:s23] =	ssyncset.done $0x0  }
0xaa: {  	s25 =	simm.s32 $0x1B8E;
	s24 =	sld [smem:$0x3FFE];
	[sflag:s23] =	ssyncadd.s32 $0xFFFFFFFF  }
0xab: {  	s26 =	simm.s32 $execute0_lowered;
	[smem:$0x3FD2] =	sst s25  }
0xac: {  	s6 =	sshll.u32 s26, $0x1;
	_ =	strace $0x80000049;
	[dreg:$0x1] =	wrdreg $0xFFFFFFFF  }
0xad: {  	s28 =	simm.s32 $_size_execute0_lowered;
	s4 =	sadd.s32 s4, s6;
	[dreg:$0x0] =	wrdreg $0x0  }
0xae: {  	s6 =	sshll.u32 s28, $0x1;
	[dreg:$0x2] =	wrdreg s4  }
0xaf: {  	[dreg:$0x3] =	wrdreg s6  }
0xb0: {  	[dreg:$0x4] =	wrdreg $0xC0  }
0xb1: {  	_ =	task [dreg:s8], $0x5FFFF  }
0xb2: {  	[dreg:$0x1] =	wrdreg $0xFFFFFFFF  }
0xb3: {  	[dreg:$0x0] =	wrdreg $0x60  }
0xb4: {  	[dreg:$0x2] =	wrdreg s24  }
0xb5: {  	[dreg:$0x3] =	wrdreg s16  }
0xb6: {  	[dreg:$0x4] =	wrdreg s17  }
0xb7: {  	[dreg:$0x5] =	wrdreg $0xA8000  }
0xb8: {  	[dreg:$0x6] =	wrdreg $0x9  }
0xb9: {  	_ =	task.clear_ibuf [dreg:s8], $0x7FFFF;
	_ =	strace $0x90000049  }
0xba: {  	s29 =	simm.s32 $0x9;
	_ =	strace $0x8000004B  }
0xbb: {  	_ =	swait.ge [sflag:s29], $0x1  }
0xbc: {  	[sflag:s29] =	ssyncadd.s32 $0xFFFFFFFF  }
0xbd: {  	_ =	strace $0x9000004B  }
0xbe: {  	_ =	sfence  }
0xbf: {  	s30 =	sld [smem:$0x0];
	_ =	sdelay $0x2  }
0xc0: {  	s31 =	sshll.u32 s1, $0xD;
	s1 =	sshrl.u32 s1, $0x2  }
0xc1: {  	s3 =	sand.u32 $0x4000, s31;
	s1 =	sadd.s32 s1, s30  }
0xc2: {  	s0 =	sor.u32 s3, s0;
	s1 =	sshll.u32 s1, $0x11  }
0xc3: {  	s0 =	sor.u32 s1, s0  }
0xc4: {  	s0 =	sadd.s32 $0x8F2B, s0  }
0xc5: {  	[sflag:s0] =	ssyncadd.remote.s32 $0x1  }
0xc6: {  	_ =	sfence.sel $0xFFFF  }
0xc7: {  	[dreg:$0x0] =	wrdreg $0xFFFFFFFF;
	(pc) =	sbr.abs _section_cstart, $3  }
0xc8: {  	[dreg:$0x1] =	wrdreg $0xFFFFFFFF  }
0xc9: {  	_ =	task.clear_ibuf [dreg:s8], $0x2FFFF;
	_ =	strace $0x9FFFFFFF  }
0xca: {  	(tm) =	ssettm $0x7FFFFFFF  }
0xcb: {  	_ =	shalt  }
tec
execute0_lowered:
.L_overlay_start_1:
0x0: {  	(tag) =	ssettag $0x1  }
0x1: {  	s5 =	rddreg [dreg:$0x0]  }
0x2: {  	s9 =	rddreg [dreg:$0x1]  }
0x3: {  	s10 =	rddreg [dreg:$0x2]  }
0x4: {  	s2 =	rddreg [dreg:$0x3]  }
0x5: {  	s0 =	rddreg [dreg:$0x4]  }
0x6: {  	s1 =	stileid.u32;
	s4 =	srdreg.scid;
	s3 =	simm.s32 $0x0  }
0x7: {  	s16 =	simm.s32 $0x80;
	s17 =	simm.s32 $0x2800;
	s18 =	simm.s32 $0x6800  }
0x8: {  	s19 =	simm.s32 $0x1;
	s20 =	simm.s32 $0x2;
	s21 =	simm.s32 $0x2700  }
0x9: {  	s22 =	simm.s32 $0x2780;
	s23 =	simm.s32 $0x0;
	s6 =	smul.u32 $0x14000, s1  }
0xa: {  	s7 =	sand.u32 $0x1, s4;
	[smem:$0x7FF] =	sst s3;
	s4 =	sadd.s32 $0x7B400, s5  }
0xb: {  	s25 =	smul.u32 $0x50000, s1;
	s12 =	sshll.u32 s1, $0x1;
	s30 =	sshll.u32 s1, $0x6  }
0xc: {  	s8 =	smul.u32 $0x140000, s7;
	_ =	strace $0x8000004A;
	s26 =	ssub.s32 $0x2, s7  }
0xd: {  	s28 =	sor.u32 s7, s12;
	s11 =	sshrl.u32 s6, $0x3;
	s29 =	sshrl.u32 s26, $0x1  }
0xe: {  	s12 =	smul.u32 $0x2800, s28;
	s11 =	sadd.s32 s11, s5;
	s6 =	sadd.s32 s6, s8  }
0xf: {  	s8 =	sshrl.u32 s25, $0x2;
	s14 =	ssub.s32 s26, s29;
	s6 =	sshrl.u32 s6, $0x3  }
0x10: {  	s15 =	sadd.s32 s8, s2;
	s31 =	sshrl.u32 s12, $0x3;
	s12 =	smax.u32 s14, $0x1  }
0x11: {  	s14 =	simm.s32 $0x3;
	s13 =	sadd.s32 s6, s5;
	s5 =	sadd.s32 $0x2C00, s11  }
0x12: {  	s6 =	sor.u32 $0x1C03, s30;
	s7 =	sadd.s32 s9, s31;
	s11 =	sadd.s32 $0x280, s31  }
0x13: {  	s8 =	sadd.s32 s10, s31;
	s9 =	sadd.s32 s9, s11;
	s10 =	sadd.s32 s10, s11  }
0x14: {  	s11 =	sadd.s32 $0xA3400, s13;
	s13 =	sshrl.u32 s15, $0x3;
	s15 =	simm.s32 $0x1400  }
.LBB2_1:
0x15: {  	[spmem:s13], [sflag:s6] =	dma.local [hbm:s5], $0x2800  }
0x16: {  	_ =	swait.ge [sflag:s14], $0x2800  }
0x17: {  	[sflag:s14] =	ssyncset.done $0x0  }
0x18: {  	[sflag:s14] =	ssyncadd.s32 $0xFFFFD800  }
0x19: {  	[bflag:$0x0] =	sbarrier.arrive $0xFFFF  }
0x1a: {  	[tilespmem:s3], [sflag:$0x3] =	stream.linear.gather [hbm4b:s7+s3], $0x1400, $0x38;
	[tilespmem:$0x1E800] =	vst v63  }
0x1b: {  	_ =	swait.ge [sflag:s14], $0x1400  }
0x1c: {  	[sflag:s14] =	ssyncset.done $0x0  }
0x1d: {  	[sflag:s14] =	ssyncadd.s32 $0xFFFFEC00  }
0x1e: {  	[tilespmem:s15], [sflag:$0x3] =	stream.linear.gather [hbm4b:s8+s3], $0x1400, $0x38;
	[tilespmem:$0x1E800] =	vst v63  }
0x1f: {  	_ =	swait.ge [sflag:s14], $0x1400  }
0x20: {  	[sflag:s14] =	ssyncset.done $0x0  }
0x21: {  	[sflag:s14] =	ssyncadd.s32 $0xFFFFEC00  }
0x22: {  	[tilespmem:s17], [sflag:$0x1] =	stream.indirect.gather [hbm4b:s4+s16], $0x80, s3, s16, $0xb8;
	[tilespmem:$0x1E800] =	vst v63  }
0x23: {  	_ = 	snop  }
0x24: {  	[tilespmem:s18], [sflag:$0x2] =	stream.indirect.gather [hbm4b:s4+s16], $0x80, s16, s16, $0xb8;
	[tilespmem:$0x1E800] =	vst v63  }
0x25: {  	_ =	swait.ge [sflag:s19], $0x4000  }
0x26: {  	[sflag:s19] =	ssyncset.done $0x0  }
0x27: {  	s24 =	simm.s32 $0x1400;
	[sflag:s19] =	ssyncadd.s32 $0xFFFFC000  }
0x28: {  	[spmem:s2] =	stream.indirect.scatter.add.f32 [tilespmem:s17], [sflag:$0x3], $0x80, s24, s16, $0xb8;
	[tilespmem:$0x1E800] =	vst v63  }
0x29: {  	_ =	swait.ge [sflag:s14], $0x4000  }
0x2a: {  	[sflag:s14] =	ssyncset.done $0x0  }
0x2b: {  	s30 =	simm.s32 $0x100;
	[sflag:s14] =	ssyncadd.s32 $0xFFFFC000  }
0x2c: {  	[tilespmem:s17], [sflag:$0x1] =	stream.indirect.gather [hbm4b:s4+s16], $0x80, s30, s16, $0xb8;
	[tilespmem:$0x1E800] =	vst v63  }
0x2d: {  	_ =	swait.ge [sflag:s20], $0x4000  }
0x2e: {  	[sflag:s20] =	ssyncset.done $0x0  }
0x2f: {  	s31 =	simm.s32 $0x1480;
	[sflag:s20] =	ssyncadd.s32 $0xFFFFC000  }
0x30: {  	[spmem:s2] =	stream.indirect.scatter.add.f32 [tilespmem:s18], [sflag:$0x3], $0x80, s31, s16, $0xb8;
	[tilespmem:$0x1E800] =	vst v63  }
0x31: {  	_ =	swait.ge [sflag:s14], $0x4000  }
0x32: {  	[sflag:s14] =	ssyncset.done $0x0  }
0x33: {  	s25 =	simm.s32 $0x180;
	s24 =	simm.s32 $0x400;
	[sflag:s14] =	ssyncadd.s32 $0xFFFFC000  }
.LBB2_2:
0x34: {  	[tilespmem:s18], [sflag:$0x2] =	stream.indirect.gather [hbm4b:s4+s16], $0x80, s25, s16, $0xb8;
	[tilespmem:$0x1E800] =	vst v63  }
0x35: {  	s25 =	smov.u32 s24  }
0x36: {  	p0 =	sne.s32 s24, $0x4800;
	s24 =	sadd.s32 $0x400, s24;
	_ =	swait.ge [sflag:s19], $0x4000  }
0x37: {  	s25 =	sshra.s32 s25, $0x2;
	[sflag:s19] =	ssyncset.done $0x0  }
0x38: {  	s26 =	sadd.s32 $0x1400, s25;
	[sflag:s19] =	ssyncadd.s32 $0xFFFFC000  }
0x39: {  	[spmem:s2] =	stream.indirect.scatter.add.f32 [tilespmem:s17], [sflag:$0x3], $0x80, s26, s16, $0xb8;
	[tilespmem:$0x1E800] =	vst v63  }
0x3a: {  	_ =	swait.ge [sflag:s14], $0x4000  }
0x3b: {  	[sflag:s14] =	ssyncset.done $0x0  }
0x3c: {  	s26 =	sadd.s32 $0x100, s25;
	[sflag:s14] =	ssyncadd.s32 $0xFFFFC000  }
0x3d: {  	[tilespmem:s17], [sflag:$0x1] =	stream.indirect.gather [hbm4b:s4+s16], $0x80, s26, s16, $0xb8;
	[tilespmem:$0x1E800] =	vst v63  }
0x3e: {  	_ =	swait.ge [sflag:s20], $0x4000  }
0x3f: {  	[sflag:s20] =	ssyncset.done $0x0  }
.Ltmp0:
0x40: {  	s26 =	sadd.s32 $0x1480, s25;
	[sflag:s20] =	ssyncadd.s32 $0xFFFFC000;
	(pc) =	sbr.rel @p0 .LBB2_2-.Ltmp0, $4  }
0x41: {  	[spmem:s2] =	stream.indirect.scatter.add.f32 [tilespmem:s18], [sflag:$0x3], $0x80, s26, s16, $0xb8;
	[tilespmem:$0x1E800] =	vst v63  }
0x42: {  	_ =	swait.ge [sflag:s14], $0x4000  }
0x43: {  	[sflag:s14] =	ssyncset.done $0x0  }
0x44: {  	s25 =	sadd.s32 $0x180, s25;
	[sflag:s14] =	ssyncadd.s32 $0xFFFFC000  }
0x45: {  	[tilespmem:s18], [sflag:$0x2] =	stream.indirect.gather [hbm4b:s4+s16], $0x80, s25, s16, $0xb8;
	[tilespmem:$0x1E800] =	vst v63  }
0x46: {  	_ =	swait.ge [sflag:s19], $0x4000  }
0x47: {  	[sflag:s19] =	ssyncset.done $0x0  }
0x48: {  	[sflag:s19] =	ssyncadd.s32 $0xFFFFC000  }
0x49: {  	[spmem:s2] =	stream.indirect.scatter.add.f32 [tilespmem:s17], [sflag:$0x3], $0x80, s21, s16, $0xb8;
	[tilespmem:$0x1E800] =	vst v63  }
0x4a: {  	_ =	swait.ge [sflag:s14], $0x4000  }
0x4b: {  	[sflag:s14] =	ssyncset.done $0x0  }
0x4c: {  	[sflag:s14] =	ssyncadd.s32 $0xFFFFC000  }
0x4d: {  	_ =	swait.ge [sflag:s20], $0x4000  }
0x4e: {  	[sflag:s20] =	ssyncset.done $0x0  }
0x4f: {  	[sflag:s20] =	ssyncadd.s32 $0xFFFFC000  }
0x50: {  	[spmem:s2] =	stream.indirect.scatter.add.f32 [tilespmem:s18], [sflag:$0x3], $0x80, s22, s16, $0xb8;
	[tilespmem:$0x1E800] =	vst v63  }
0x51: {  	_ =	swait.ge [sflag:s14], $0x4000  }
0x52: {  	[sflag:s14] =	ssyncset.done $0x0  }
0x53: {  	s24 =	simm.s32 $0x0;
	[sflag:s14] =	ssyncadd.s32 $0xFFFFC000  }
0x54: {  	[tilespmem:s24], [sflag:$0x3] =	stream.linear.gather [hbm4b:s9+s24], $0x1400, $0x38;
	[tilespmem:$0x1E800] =	vst v63  }
0x55: {  	_ =	swait.ge [sflag:s14], $0x1400  }
0x56: {  	[sflag:s14] =	ssyncset.done $0x0  }
0x57: {  	[sflag:s14] =	ssyncadd.s32 $0xFFFFEC00  }
0x58: {  	[tilespmem:s15], [sflag:$0x3] =	stream.linear.gather [hbm4b:s10+s24], $0x1400, $0x38;
	[tilespmem:$0x1E800] =	vst v63  }
0x59: {  	_ =	swait.ge [sflag:s14], $0x1400  }
0x5a: {  	[sflag:s14] =	ssyncset.done $0x0  }
0x5b: {  	[sflag:s14] =	ssyncadd.s32 $0xFFFFEC00  }
0x5c: {  	[tilespmem:s17], [sflag:$0x1] =	stream.indirect.gather [hbm4b:s4+s16], $0x80, s24, s16, $0xb8;
	[tilespmem:$0x1E800] =	vst v63  }
0x5d: {  	_ = 	snop  }
0x5e: {  	[tilespmem:s18], [sflag:$0x2] =	stream.indirect.gather [hbm4b:s4+s16], $0x80, s16, s16, $0xb8;
	[tilespmem:$0x1E800] =	vst v63  }
0x5f: {  	_ =	swait.ge [sflag:s19], $0x4000  }
0x60: {  	[sflag:s19] =	ssyncset.done $0x0  }
0x61: {  	s29 =	simm.s32 $0x1400;
	[sflag:s19] =	ssyncadd.s32 $0xFFFFC000  }
0x62: {  	[spmem:s2] =	stream.indirect.scatter.add.f32 [tilespmem:s17], [sflag:$0x3], $0x80, s29, s16, $0xb8;
	[tilespmem:$0x1E800] =	vst v63  }
0x63: {  	_ =	swait.ge [sflag:s14], $0x4000  }
0x64: {  	[sflag:s14] =	ssyncset.done $0x0  }
0x65: {  	s30 =	simm.s32 $0x100;
	[sflag:s14] =	ssyncadd.s32 $0xFFFFC000  }
0x66: {  	[tilespmem:s17], [sflag:$0x1] =	stream.indirect.gather [hbm4b:s4+s16], $0x80, s30, s16, $0xb8;
	[tilespmem:$0x1E800] =	vst v63  }
0x67: {  	_ =	swait.ge [sflag:s20], $0x4000  }
0x68: {  	[sflag:s20] =	ssyncset.done $0x0  }
0x69: {  	s31 =	simm.s32 $0x1480;
	[sflag:s20] =	ssyncadd.s32 $0xFFFFC000  }
0x6a: {  	[spmem:s2] =	stream.indirect.scatter.add.f32 [tilespmem:s18], [sflag:$0x3], $0x80, s31, s16, $0xb8;
	[tilespmem:$0x1E800] =	vst v63  }
0x6b: {  	_ =	swait.ge [sflag:s14], $0x4000  }
0x6c: {  	[sflag:s14] =	ssyncset.done $0x0  }
0x6d: {  	s25 =	simm.s32 $0x180;
	s24 =	simm.s32 $0x400;
	[sflag:s14] =	ssyncadd.s32 $0xFFFFC000  }
.LBB2_4:
0x6e: {  	[tilespmem:s18], [sflag:$0x2] =	stream.indirect.gather [hbm4b:s4+s16], $0x80, s25, s16, $0xb8;
	[tilespmem:$0x1E800] =	vst v63  }
0x6f: {  	s25 =	smov.u32 s24  }
0x70: {  	p0 =	sne.s32 s24, $0x4800;
	s24 =	sadd.s32 $0x400, s24;
	_ =	swait.ge [sflag:s19], $0x4000  }
0x71: {  	s25 =	sshra.s32 s25, $0x2;
	[sflag:s19] =	ssyncset.done $0x0  }
0x72: {  	s26 =	sadd.s32 $0x1400, s25;
	[sflag:s19] =	ssyncadd.s32 $0xFFFFC000  }
0x73: {  	[spmem:s2] =	stream.indirect.scatter.add.f32 [tilespmem:s17], [sflag:$0x3], $0x80, s26, s16, $0xb8;
	[tilespmem:$0x1E800] =	vst v63  }
0x74: {  	_ =	swait.ge [sflag:s14], $0x4000  }
0x75: {  	[sflag:s14] =	ssyncset.done $0x0  }
0x76: {  	s26 =	sadd.s32 $0x100, s25;
	[sflag:s14] =	ssyncadd.s32 $0xFFFFC000  }
0x77: {  	[tilespmem:s17], [sflag:$0x1] =	stream.indirect.gather [hbm4b:s4+s16], $0x80, s26, s16, $0xb8;
	[tilespmem:$0x1E800] =	vst v63  }
0x78: {  	_ =	swait.ge [sflag:s20], $0x4000  }
0x79: {  	[sflag:s20] =	ssyncset.done $0x0  }
.Ltmp1:
0x7a: {  	s26 =	sadd.s32 $0x1480, s25;
	[sflag:s20] =	ssyncadd.s32 $0xFFFFC000;
	(pc) =	sbr.rel @p0 .LBB2_4-.Ltmp1, $4  }
0x7b: {  	[spmem:s2] =	stream.indirect.scatter.add.f32 [tilespmem:s18], [sflag:$0x3], $0x80, s26, s16, $0xb8;
	[tilespmem:$0x1E800] =	vst v63  }
0x7c: {  	_ =	swait.ge [sflag:s14], $0x4000  }
0x7d: {  	[sflag:s14] =	ssyncset.done $0x0  }
0x7e: {  	s25 =	sadd.s32 $0x180, s25;
	[sflag:s14] =	ssyncadd.s32 $0xFFFFC000  }
0x7f: {  	[tilespmem:s18], [sflag:$0x2] =	stream.indirect.gather [hbm4b:s4+s16], $0x80, s25, s16, $0xb8;
	[tilespmem:$0x1E800] =	vst v63  }
0x80: {  	_ =	swait.ge [sflag:s19], $0x4000  }
0x81: {  	[sflag:s19] =	ssyncset.done $0x0  }
0x82: {  	[sflag:s19] =	ssyncadd.s32 $0xFFFFC000  }
0x83: {  	[spmem:s2] =	stream.indirect.scatter.add.f32 [tilespmem:s17], [sflag:$0x3], $0x80, s21, s16, $0xb8;
	[tilespmem:$0x1E800] =	vst v63  }
0x84: {  	_ =	swait.ge [sflag:s14], $0x4000  }
0x85: {  	[sflag:s14] =	ssyncset.done $0x0  }
0x86: {  	[sflag:s14] =	ssyncadd.s32 $0xFFFFC000  }
0x87: {  	_ =	swait.ge [sflag:s20], $0x4000  }
0x88: {  	[sflag:s20] =	ssyncset.done $0x0  }
0x89: {  	[sflag:s20] =	ssyncadd.s32 $0xFFFFC000  }
0x8a: {  	[spmem:s2] =	stream.indirect.scatter.add.f32 [tilespmem:s18], [sflag:$0x3], $0x80, s22, s16, $0xb8;
	[tilespmem:$0x1E800] =	vst v63  }
0x8b: {  	_ =	swait.ge [sflag:s14], $0x4000  }
0x8c: {  	s23 =	sadd.s32 $0x1, s23;
	[sflag:s14] =	ssyncset.done $0x0  }
0x8d: {  	p0 =	sne.s32 s23, s12;
	[sflag:s14] =	ssyncadd.s32 $0xFFFFC000  }
.Ltmp2:
0x8e: {  	[bflag:$0x0] =	sbarrier.arrive $0xFFFF;
	(pc) =	sbr.rel @p0 .LBB2_1-.Ltmp2, $4  }
0x8f: {  	[hbm:s11], [sflag:s6] =	dma.local [spmem:s13], $0x2800  }
0x90: {  	_ =	swait.ge [sflag:s14], $0x2800  }
0x91: {  	[sflag:s14] =	ssyncset.done $0x0  }
0x92: {  	[sflag:s14] =	ssyncadd.s32 $0xFFFFD800  }
0x93: {  	_ =	sfence.sel $0x180000  }
0x94: {  	[bflag:$0x0] =	sbarrier.arrive $0xFFFF  }
0x95: {  	p0 =	sne.s32 s1, $0x0;
	_ =	strace $0x9000004A  }
0x96: {  	s0 =	sadd.s32 @!p0 $0x100000, s0;
	[bflag:$0x2] =	sbarrier.arrive $0xFFFF  }
0x97: {  	[sflag:s0] =	ssyncadd.tile.s32 @!p0 $0x1;
	_ =	shalt  }
.Lfunc_end2:
_tile_overlayer_lowered:
.L_overlay_start_2:
0x98: {  	(tag) =	ssettag $0x2  }
0x99: {  	s0 =	rddreg [dreg:$0x0];
	s2 =	stileid.u32  }
0x9a: {  	s1 =	rddreg [dreg:$0x1];
	p0 =	sne.s32 s2, $0x0  }
0x9b: {  	s3 =	rddreg [dreg:$0x2];
	[bflag:$0x3] =	sbarrier.arrive $0xFFFF;
	s2 =	simm.s32 @!p0 $0x1C03  }
0x9c: {  	[timem:s3], [sflag:s2] =	dma.local @!p0 [hbm:s0], s1  }
0x9d: {  	s0 =	simm.s32 @!p0 $0x3  }
0x9e: {  	_ =	swait.ge @!p0 [sflag:s0], s1  }
0x9f: {  	s1 =	ssub.s32 @!p0 $0x0, s1;
	[sflag:s0] =	ssyncset.done @!p0 $0x0  }
0xa0: {  	[sflag:s0] =	ssyncadd.s32 @!p0 s1  }
0xa1: {  	[bflag:$0x3] =	sbarrier.arrive $0xFFFF  }
0xa2: {  	_ =	shalt  }

// kernel: kernel.14.cloned.1.call-start
scs
__scs_entry_jumppad:
0x0: {  	(pc) =	sbr.rel $0x88, $3  }
0x1: {  	(tag) =	ssettag $0x0;
	lr =	simm.s32 $0x1  }
0x2: {  	[smem:$0x3F99] =	sst lr;
	_ =	strace $0xD0000000  }
0x3: {  	_ = 	snop  }
0x4: {  	_ = 	snop  }
0x5: {  	_ = 	snop  }
0x6: {  	_ = 	snop  }
0x7: {  	_ = 	snop  }
__scs_overlays_trampoline_lowered:
0x8: {  	[smem:$0x3FA8] =	sst s0  }
0x9: {  	[smem:$0x3FA9] =	sst s1  }
0xa: {  	[smem:$0x3FAA] =	sst s2  }
0xb: {  	[smem:$0x3FAB] =	sst s3  }
0xc: {  	[smem:$0x3FAC] =	sst s4  }
0xd: {  	[smem:$0x3FAD] =	sst s5  }
0xe: {  	[smem:$0x3FAE] =	sst s6  }
0xf: {  	[smem:$0x3FAF] =	sst s7  }
0x10: {  	[smem:$0x3FB0] =	sst s8  }
0x11: {  	[smem:$0x3FB1] =	sst s9;
	s0 =	simm.s32 @!p0 $0x0  }
0x12: {  	s1 =	sld [smem:$0x3F97];
	s0 =	simm.s32 @p0 $0x1  }
0x13: {  	[smem:$0x3FB2] =	sst s0;
	s0 =	simm.s32 @!p1 $0x0  }
0x14: {  	s2 =	sld [smem:$0x3F96];
	s0 =	simm.s32 @p1 $0x1  }
0x15: {  	[smem:$0x3FB3] =	sst s0;
	s0 =	simm.s32 @!p2 $0x0  }
0x16: {  	s3 =	sld [smem:$0x3FDB];
	s0 =	simm.s32 @p2 $0x1  }
0x17: {  	s4 =	simm.s32 $0x1BF5;
	[smem:$0x3FB5] =	sst s0  }
0x18: {  	s0 =	sld [smem:$0x3F98];
	_ =	swait.ge [sflag:s4], $0x0  }
0x19: {  	s7 =	sld [smem:$0x3F99]  }
0x1a: {  	s8 =	sadd.s32 $0xFFFFE003, lr  }
0x1b: {  	s9 =	sadd.s32 $0xFFFFFEF7, lr;
	s5 =	simm.s32 $0xFFFFFFFF;
	p2 =	slt.u32 s8, $0xFFFFF086  }
0x1c: {  	p1 =	slt.u32 s9, $0xF7A;
	s5 =	simm.s32 @!p2 $0x0  }
0x1d: {  	s5 =	simm.s32 @p1 $0x1;
	p0 =	seq.s32 s7, s2  }
0x1e: {  	s7 =	smul.u32 @!p0 $0xF7A, s2;
	p2 =	seq.s32 @!p0 s5, $0x0  }
0x1f: {  	s9 =	smul.u32 $0xF7A, s1;
	s8 =	simm.s32 @!p0 $0x1BF5;
	p2 =	por !p2, p0  }
0x20: {  	[sflag:s8] =	ssyncset.s32 @!p0 $0xFFFFF086;
	s6 =	sadd.s32 @!p0 s3, s7;
	s7 =	simm.s32 @!p0 $0x108  }
0x21: {  	s3 =	sadd.s32 s3, s9;
	s6 =	sadd.s32 @!p0 $0x88, s6;
	s7 =	simm.s32 @p2 $0x1082  }
0x22: {  	[simem:s7], [sflag:s8] =	dma.local @!p0 [hbm:s6], $0xF7A  }
0x23: {  	s9 =	sor.u32 $0xD0000000, s2;
	s6 =	simm.s32 $0x108;
	_ =	swait.ge @!p0 [sflag:s8], $0x0  }
0x24: {  	s3 =	sadd.s32 $0x88, s3;
	s6 =	simm.s32 @!p1 $0x1082;
	[sflag:s4] =	ssyncset.s32 $0xFFFFF086  }
0x25: {  	[simem:s6], [sflag:s4] =	dma.local [hbm:s3], $0xF7A  }
0x26: {  	[smem:$0x3F99] =	sst s1;
	(tag) =	ssettag s2;
	_ =	strace s9  }
0x27: {  	s1 =	sld [smem:$0x3FA9]  }
0x28: {  	s2 =	sld [smem:$0x3FAA]  }
0x29: {  	s4 =	sld [smem:$0x3FAC]  }
0x2a: {  	p0 =	seq.s32 s5, $0x0;
	s5 =	sld [smem:$0x3FAD]  }
0x2b: {  	s6 =	sld [smem:$0x3FAE]  }
0x2c: {  	s7 =	sld [smem:$0x3FAF]  }
0x2d: {  	s3 =	simm.s32 $0x108;
	s8 =	sld [smem:$0x3FB0]  }
0x2e: {  	s3 =	simm.s32 @!p0 $0x1082;
	s9 =	sld [smem:$0x3FB1]  }
0x2f: {  	lr =	sadd.s32 s0, s3;
	s0 =	sld [smem:$0x3FA8]  }
0x30: {  	s3 =	sld [smem:$0x3FAB]  }
0x31: {  	[smem:$0x3FB4] =	sst s10  }
0x32: {  	s10 =	sld [smem:$0x3FB2];
	_ =	sdelay $0x3  }
0x33: {  	p0 =	seq.s32 s10, $0x1;
	s10 =	sld [smem:$0x3FB4];
	_ =	sdelay $0x3  }
0x34: {  	[smem:$0x3FB4] =	sst s10  }
0x35: {  	s10 =	sld [smem:$0x3FB3];
	_ =	sdelay $0x3  }
0x36: {  	p1 =	seq.s32 s10, $0x1;
	s10 =	sld [smem:$0x3FB4];
	_ =	sdelay $0x3  }
0x37: {  	[smem:$0x3FB4] =	sst s10  }
0x38: {  	s10 =	sld [smem:$0x3FB5]  }
0x39: {  	_ = 	snop;
	(pc) =	sbr.ind lr, $3  }
0x3a: {  	_ = 	snop  }
0x3b: {  	_ = 	snop  }
0x3c: {  	p2 =	seq.s32 s10, $0x1;
	s10 =	sld [smem:$0x3FB4]  }
0x3d: {  	_ =	shalt  }
0x3e: {  	_ =	shalt  }
0x3f: {  	_ =	shalt  }
0x40: {  	_ =	shalt  }
0x41: {  	_ =	shalt  }
0x42: {  	_ =	shalt  }
0x43: {  	_ =	shalt  }
0x44: {  	_ =	shalt  }
0x45: {  	_ =	shalt  }
0x46: {  	_ =	shalt  }
0x47: {  	_ =	shalt  }
0x48: {  	_ =	shalt  }
0x49: {  	_ =	shalt  }
0x4a: {  	_ =	shalt  }
0x4b: {  	_ =	shalt  }
0x4c: {  	_ =	shalt  }
0x4d: {  	_ =	shalt  }
0x4e: {  	_ =	shalt  }
0x4f: {  	_ =	shalt  }
0x50: {  	_ =	shalt  }
0x51: {  	_ =	shalt  }
0x52: {  	_ =	shalt  }
0x53: {  	_ =	shalt  }
0x54: {  	_ =	shalt  }
0x55: {  	_ =	shalt  }
0x56: {  	_ =	shalt  }
0x57: {  	_ =	shalt  }
0x58: {  	_ =	shalt  }
0x59: {  	_ =	shalt  }
0x5a: {  	_ =	shalt  }
0x5b: {  	_ =	shalt  }
0x5c: {  	_ =	shalt  }
0x5d: {  	_ =	shalt  }
0x5e: {  	_ =	shalt  }
0x5f: {  	_ =	shalt  }
0x60: {  	_ =	shalt  }
0x61: {  	_ =	shalt  }
0x62: {  	_ =	shalt  }
0x63: {  	_ =	shalt  }
0x64: {  	_ =	shalt  }
0x65: {  	_ =	shalt  }
0x66: {  	_ =	shalt  }
0x67: {  	_ =	shalt  }
0x68: {  	_ =	shalt  }
0x69: {  	_ =	shalt  }
0x6a: {  	_ =	shalt  }
0x6b: {  	_ =	shalt  }
0x6c: {  	_ =	shalt  }
0x6d: {  	_ =	shalt  }
0x6e: {  	_ =	shalt  }
0x6f: {  	_ =	shalt  }
0x70: {  	_ =	shalt  }
0x71: {  	_ =	shalt  }
0x72: {  	_ =	shalt  }
0x73: {  	_ =	shalt  }
0x74: {  	_ =	shalt  }
0x75: {  	_ =	shalt  }
0x76: {  	_ =	shalt  }
0x77: {  	_ =	shalt  }
0x78: {  	_ =	shalt  }
0x79: {  	_ =	shalt  }
0x7a: {  	_ =	shalt  }
0x7b: {  	_ =	shalt  }
0x7c: {  	_ =	shalt  }
0x7d: {  	_ =	shalt  }
0x7e: {  	_ =	shalt  }
0x7f: {  	_ =	shalt  }
0x80: {  	_ =	shalt  }
0x81: {  	_ =	shalt  }
0x82: {  	_ =	shalt  }
0x83: {  	_ =	shalt  }
0x84: {  	_ =	shalt  }
0x85: {  	_ =	shalt  }
0x86: {  	_ =	shalt  }
0x87: {  	_ =	shalt  }
.Lfunc_end0:
.L_simem_size_0:
called_computation.2_lowered:
.L_overlay_start_0:
0x88: {  	s2 =	sld [smem:$0x3FD9]  }
0x89: {  	s3 =	sld [smem:$0x3FFE];
	_ =	sdelay $0x1  }
0x8a: {  	s1 =	srdreg.scid  }
0x8b: {  	s0 =	sand.u32 $0x1, s1  }
0x8c: {  	s14 =	sshll.u32 s0, $0xA;
	s2 =	sadd.s32 s3, s2  }
0x8d: {  	s2 =	sadd.s32 s2, s14  }
0x8e: {  	[smem:$0x3FC0] =	sst s2  }
0x8f: {  	_ = 	snop  }
0x90: {  	s2 =	sld [smem:$0x3FD0];
	_ =	sdelay $0x2  }
0x91: {  	s15 =	simm.s32 $0xA;
	s4 =	simm.s32 $0x10  }
0x92: {  	[smem:s4], [sflag:s15] =	dma.local [hbm:s2], $0x1  }
0x93: {  	_ =	swait.eq [sflag:s15], $0x1  }
0x94: {  	[sflag:s15] =	ssyncset.done $0x0  }
0x95: {  	s16 =	sld [smem:$0x10];
	[sflag:s15] =	ssyncadd.s32 $0xFFFFFFFF  }
0x96: {  	s17 =	sld [smem:$0x11];
	(tm) =	ssettm $0x1  }
0x97: {  	s18 =	sld [smem:$0x3FFB];
	_ =	sdelay $0x3  }
0x98: {  	_ =	strace s18  }
0x99: {  	s4 =	sld [smem:$0x3FFC];
	_ =	sdelay $0x3  }
0x9a: {  	_ =	strace s4  }
0x9b: {  	s4 =	sld [smem:$0x3FFD];
	_ =	sdelay $0x3  }
0x9c: {  	_ =	strace s4  }
0x9d: {  	_ =	strace $0x8FFFFFFF  }
0x9e: {  	s19 =	sld [smem:$0x3FDB];
	_ =	sdelay $0x1  }
0x9f: {  	s5 =	simm.s32 $_scs_section_size  }
0xa0: {  	s6 =	simm.s32 $_size__tile_overlayer_lowered;
	s7 =	simm.s32 $_tile_overlayer_lowered  }
0xa1: {  	s22 =	simm.s32 $0x1BFF;
	s21 =	sshll.u32 s7, $0x1;
	s4 =	sadd.s32 s5, s19  }
0xa2: {  	s8 =	simm.s32 $0x0;
	s20 =	sshll.u32 s6, $0x1;
	s6 =	sadd.s32 s21, s4  }
0xa3: {  	[timem:s8], [sflag:s22] =	dma.local [hbm:s6], s20  }
0xa4: {  	_ =	swait.ge [sflag:s22], s20  }
0xa5: {  	s5 =	ssub.s32 $0x0, s20;
	[sflag:s22] =	ssyncset.done $0x0  }
0xa6: {  	[sflag:s22] =	ssyncadd.s32 s5;
	_ =	sdelay $0x1  }
0xa7: {  	s23 =	simm.s32 $0x1B8B  }
0xa8: {  	_ =	swait.ge [sflag:s23], $0x1  }
0xa9: {  	[sflag:s23] =	ssyncset.done $0x0  }
0xaa: {  	s25 =	simm.s32 $0x1B8E;
	s24 =	sld [smem:$0x3FFE];
	[sflag:s23] =	ssyncadd.s32 $0xFFFFFFFF  }
0xab: {  	s26 =	simm.s32 $execute0_lowered;
	[smem:$0x3FD2] =	sst s25  }
0xac: {  	s6 =	sshll.u32 s26, $0x1;
	_ =	strace $0x8000004C;
	[dreg:$0x1] =	wrdreg $0xFFFFFFFF  }
0xad: {  	s28 =	simm.s32 $_size_execute0_lowered;
	s4 =	sadd.s32 s4, s6;
	[dreg:$0x0] =	wrdreg $0x0  }
0xae: {  	s6 =	sshll.u32 s28, $0x1;
	[dreg:$0x2] =	wrdreg s4  }
0xaf: {  	[dreg:$0x3] =	wrdreg s6  }
0xb0: {  	[dreg:$0x4] =	wrdreg $0xC0  }
0xb1: {  	_ =	task [dreg:s8], $0x5FFFF  }
0xb2: {  	[dreg:$0x1] =	wrdreg $0xFFFFFFFF  }
0xb3: {  	[dreg:$0x0] =	wrdreg $0x60  }
0xb4: {  	[dreg:$0x2] =	wrdreg s24  }
0xb5: {  	[dreg:$0x3] =	wrdreg s16  }
0xb6: {  	[dreg:$0x4] =	wrdreg s17  }
0xb7: {  	[dreg:$0x5] =	wrdreg $0xA8000  }
0xb8: {  	[dreg:$0x6] =	wrdreg $0x9  }
0xb9: {  	_ =	task.clear_ibuf [dreg:s8], $0x7FFFF;
	_ =	strace $0x9000004C  }
0xba: {  	s29 =	simm.s32 $0x9;
	_ =	strace $0x8000004E  }
0xbb: {  	_ =	swait.ge [sflag:s29], $0x1  }
0xbc: {  	[sflag:s29] =	ssyncadd.s32 $0xFFFFFFFF  }
0xbd: {  	_ =	strace $0x9000004E  }
0xbe: {  	_ =	sfence  }
0xbf: {  	s30 =	sld [smem:$0x0];
	_ =	sdelay $0x2  }
0xc0: {  	s31 =	sshll.u32 s1, $0xD;
	s1 =	sshrl.u32 s1, $0x2  }
0xc1: {  	s3 =	sand.u32 $0x4000, s31;
	s1 =	sadd.s32 s1, s30  }
0xc2: {  	s0 =	sor.u32 s3, s0;
	s1 =	sshll.u32 s1, $0x11  }
0xc3: {  	s0 =	sor.u32 s1, s0  }
0xc4: {  	s0 =	sadd.s32 $0x8F2B, s0  }
0xc5: {  	[sflag:s0] =	ssyncadd.remote.s32 $0x1  }
0xc6: {  	_ =	sfence.sel $0xFFFF  }
0xc7: {  	[dreg:$0x0] =	wrdreg $0xFFFFFFFF;
	(pc) =	sbr.abs _section_cstart, $3  }
0xc8: {  	[dreg:$0x1] =	wrdreg $0xFFFFFFFF  }
0xc9: {  	_ =	task.clear_ibuf [dreg:s8], $0x2FFFF;
	_ =	strace $0x9FFFFFFF  }
0xca: {  	(tm) =	ssettm $0x7FFFFFFF  }
0xcb: {  	_ =	shalt  }
tec
execute0_lowered:
.L_overlay_start_1:
0x0: {  	(tag) =	ssettag $0x1  }
0x1: {  	s5 =	rddreg [dreg:$0x0]  }
0x2: {  	s9 =	rddreg [dreg:$0x1]  }
0x3: {  	s10 =	rddreg [dreg:$0x2]  }
0x4: {  	s2 =	rddreg [dreg:$0x3]  }
0x5: {  	s0 =	rddreg [dreg:$0x4]  }
0x6: {  	s1 =	stileid.u32;
	s4 =	srdreg.scid;
	s3 =	simm.s32 $0x0  }
0x7: {  	s16 =	simm.s32 $0x80;
	s17 =	simm.s32 $0x2800;
	s18 =	simm.s32 $0x6800  }
0x8: {  	s19 =	simm.s32 $0x1;
	s20 =	simm.s32 $0x2;
	s21 =	simm.s32 $0x2700  }
0x9: {  	s22 =	simm.s32 $0x2780;
	s23 =	simm.s32 $0x0;
	s6 =	smul.u32 $0x14000, s1  }
0xa: {  	s7 =	sand.u32 $0x1, s4;
	[smem:$0x7FF] =	sst s3;
	s4 =	sadd.s32 $0x7B400, s5  }
0xb: {  	s25 =	smul.u32 $0x50000, s1;
	s12 =	sshll.u32 s1, $0x1;
	s30 =	sshll.u32 s1, $0x6  }
0xc: {  	s8 =	smul.u32 $0x140000, s7;
	_ =	strace $0x8000004D;
	s26 =	ssub.s32 $0x2, s7  }
0xd: {  	s28 =	sor.u32 s7, s12;
	s11 =	sshrl.u32 s6, $0x3;
	s29 =	sshrl.u32 s26, $0x1  }
0xe: {  	s12 =	smul.u32 $0x2800, s28;
	s11 =	sadd.s32 s11, s5;
	s6 =	sadd.s32 s6, s8  }
0xf: {  	s8 =	sshrl.u32 s25, $0x2;
	s14 =	ssub.s32 s26, s29;
	s6 =	sshrl.u32 s6, $0x3  }
0x10: {  	s15 =	sadd.s32 s8, s2;
	s31 =	sshrl.u32 s12, $0x3;
	s12 =	smax.u32 s14, $0x1  }
0x11: {  	s14 =	simm.s32 $0x3;
	s13 =	sadd.s32 s6, s5;
	s5 =	sadd.s32 $0x2C00, s11  }
0x12: {  	s6 =	sor.u32 $0x1C03, s30;
	s7 =	sadd.s32 s9, s31;
	s11 =	sadd.s32 $0x280, s31  }
0x13: {  	s8 =	sadd.s32 s10, s31;
	s9 =	sadd.s32 s9, s11;
	s10 =	sadd.s32 s10, s11  }
0x14: {  	s11 =	sadd.s32 $0xA3400, s13;
	s13 =	sshrl.u32 s15, $0x3;
	s15 =	simm.s32 $0x1400  }
.LBB2_1:
0x15: {  	[spmem:s13], [sflag:s6] =	dma.local [hbm:s5], $0x2800  }
0x16: {  	_ =	swait.ge [sflag:s14], $0x2800  }
0x17: {  	[sflag:s14] =	ssyncset.done $0x0  }
0x18: {  	[sflag:s14] =	ssyncadd.s32 $0xFFFFD800  }
0x19: {  	[bflag:$0x0] =	sbarrier.arrive $0xFFFF  }
0x1a: {  	[tilespmem:s3], [sflag:$0x3] =	stream.linear.gather [hbm4b:s7+s3], $0x1400, $0x38;
	[tilespmem:$0x1E800] =	vst v63  }
0x1b: {  	_ =	swait.ge [sflag:s14], $0x1400  }
0x1c: {  	[sflag:s14] =	ssyncset.done $0x0  }
0x1d: {  	[sflag:s14] =	ssyncadd.s32 $0xFFFFEC00  }
0x1e: {  	[tilespmem:s15], [sflag:$0x3] =	stream.linear.gather [hbm4b:s8+s3], $0x1400, $0x38;
	[tilespmem:$0x1E800] =	vst v63  }
0x1f: {  	_ =	swait.ge [sflag:s14], $0x1400  }
0x20: {  	[sflag:s14] =	ssyncset.done $0x0  }
0x21: {  	[sflag:s14] =	ssyncadd.s32 $0xFFFFEC00  }
0x22: {  	[tilespmem:s17], [sflag:$0x1] =	stream.indirect.gather [hbm4b:s4+s16], $0x80, s3, s16, $0xb8;
	[tilespmem:$0x1E800] =	vst v63  }
0x23: {  	_ = 	snop  }
0x24: {  	[tilespmem:s18], [sflag:$0x2] =	stream.indirect.gather [hbm4b:s4+s16], $0x80, s16, s16, $0xb8;
	[tilespmem:$0x1E800] =	vst v63  }
0x25: {  	_ =	swait.ge [sflag:s19], $0x4000  }
0x26: {  	[sflag:s19] =	ssyncset.done $0x0  }
0x27: {  	s24 =	simm.s32 $0x1400;
	[sflag:s19] =	ssyncadd.s32 $0xFFFFC000  }
0x28: {  	[spmem:s2] =	stream.indirect.scatter.add.f32 [tilespmem:s17], [sflag:$0x3], $0x80, s24, s16, $0xb8;
	[tilespmem:$0x1E800] =	vst v63  }
0x29: {  	_ =	swait.ge [sflag:s14], $0x4000  }
0x2a: {  	[sflag:s14] =	ssyncset.done $0x0  }
0x2b: {  	s30 =	simm.s32 $0x100;
	[sflag:s14] =	ssyncadd.s32 $0xFFFFC000  }
0x2c: {  	[tilespmem:s17], [sflag:$0x1] =	stream.indirect.gather [hbm4b:s4+s16], $0x80, s30, s16, $0xb8;
	[tilespmem:$0x1E800] =	vst v63  }
0x2d: {  	_ =	swait.ge [sflag:s20], $0x4000  }
0x2e: {  	[sflag:s20] =	ssyncset.done $0x0  }
0x2f: {  	s31 =	simm.s32 $0x1480;
	[sflag:s20] =	ssyncadd.s32 $0xFFFFC000  }
0x30: {  	[spmem:s2] =	stream.indirect.scatter.add.f32 [tilespmem:s18], [sflag:$0x3], $0x80, s31, s16, $0xb8;
	[tilespmem:$0x1E800] =	vst v63  }
0x31: {  	_ =	swait.ge [sflag:s14], $0x4000  }
0x32: {  	[sflag:s14] =	ssyncset.done $0x0  }
0x33: {  	s25 =	simm.s32 $0x180;
	s24 =	simm.s32 $0x400;
	[sflag:s14] =	ssyncadd.s32 $0xFFFFC000  }
.LBB2_2:
0x34: {  	[tilespmem:s18], [sflag:$0x2] =	stream.indirect.gather [hbm4b:s4+s16], $0x80, s25, s16, $0xb8;
	[tilespmem:$0x1E800] =	vst v63  }
0x35: {  	s25 =	smov.u32 s24  }
0x36: {  	p0 =	sne.s32 s24, $0x4800;
	s24 =	sadd.s32 $0x400, s24;
	_ =	swait.ge [sflag:s19], $0x4000  }
0x37: {  	s25 =	sshra.s32 s25, $0x2;
	[sflag:s19] =	ssyncset.done $0x0  }
0x38: {  	s26 =	sadd.s32 $0x1400, s25;
	[sflag:s19] =	ssyncadd.s32 $0xFFFFC000  }
0x39: {  	[spmem:s2] =	stream.indirect.scatter.add.f32 [tilespmem:s17], [sflag:$0x3], $0x80, s26, s16, $0xb8;
	[tilespmem:$0x1E800] =	vst v63  }
0x3a: {  	_ =	swait.ge [sflag:s14], $0x4000  }
0x3b: {  	[sflag:s14] =	ssyncset.done $0x0  }
0x3c: {  	s26 =	sadd.s32 $0x100, s25;
	[sflag:s14] =	ssyncadd.s32 $0xFFFFC000  }
0x3d: {  	[tilespmem:s17], [sflag:$0x1] =	stream.indirect.gather [hbm4b:s4+s16], $0x80, s26, s16, $0xb8;
	[tilespmem:$0x1E800] =	vst v63  }
0x3e: {  	_ =	swait.ge [sflag:s20], $0x4000  }
0x3f: {  	[sflag:s20] =	ssyncset.done $0x0  }
.Ltmp0:
0x40: {  	s26 =	sadd.s32 $0x1480, s25;
	[sflag:s20] =	ssyncadd.s32 $0xFFFFC000;
	(pc) =	sbr.rel @p0 .LBB2_2-.Ltmp0, $4  }
0x41: {  	[spmem:s2] =	stream.indirect.scatter.add.f32 [tilespmem:s18], [sflag:$0x3], $0x80, s26, s16, $0xb8;
	[tilespmem:$0x1E800] =	vst v63  }
0x42: {  	_ =	swait.ge [sflag:s14], $0x4000  }
0x43: {  	[sflag:s14] =	ssyncset.done $0x0  }
0x44: {  	s25 =	sadd.s32 $0x180, s25;
	[sflag:s14] =	ssyncadd.s32 $0xFFFFC000  }
0x45: {  	[tilespmem:s18], [sflag:$0x2] =	stream.indirect.gather [hbm4b:s4+s16], $0x80, s25, s16, $0xb8;
	[tilespmem:$0x1E800] =	vst v63  }
0x46: {  	_ =	swait.ge [sflag:s19], $0x4000  }
0x47: {  	[sflag:s19] =	ssyncset.done $0x0  }
0x48: {  	[sflag:s19] =	ssyncadd.s32 $0xFFFFC000  }
0x49: {  	[spmem:s2] =	stream.indirect.scatter.add.f32 [tilespmem:s17], [sflag:$0x3], $0x80, s21, s16, $0xb8;
	[tilespmem:$0x1E800] =	vst v63  }
0x4a: {  	_ =	swait.ge [sflag:s14], $0x4000  }
0x4b: {  	[sflag:s14] =	ssyncset.done $0x0  }
0x4c: {  	[sflag:s14] =	ssyncadd.s32 $0xFFFFC000  }
0x4d: {  	_ =	swait.ge [sflag:s20], $0x4000  }
0x4e: {  	[sflag:s20] =	ssyncset.done $0x0  }
0x4f: {  	[sflag:s20] =	ssyncadd.s32 $0xFFFFC000  }
0x50: {  	[spmem:s2] =	stream.indirect.scatter.add.f32 [tilespmem:s18], [sflag:$0x3], $0x80, s22, s16, $0xb8;
	[tilespmem:$0x1E800] =	vst v63  }
0x51: {  	_ =	swait.ge [sflag:s14], $0x4000  }
0x52: {  	[sflag:s14] =	ssyncset.done $0x0  }
0x53: {  	s24 =	simm.s32 $0x0;
	[sflag:s14] =	ssyncadd.s32 $0xFFFFC000  }
0x54: {  	[tilespmem:s24], [sflag:$0x3] =	stream.linear.gather [hbm4b:s9+s24], $0x1400, $0x38;
	[tilespmem:$0x1E800] =	vst v63  }
0x55: {  	_ =	swait.ge [sflag:s14], $0x1400  }
0x56: {  	[sflag:s14] =	ssyncset.done $0x0  }
0x57: {  	[sflag:s14] =	ssyncadd.s32 $0xFFFFEC00  }
0x58: {  	[tilespmem:s15], [sflag:$0x3] =	stream.linear.gather [hbm4b:s10+s24], $0x1400, $0x38;
	[tilespmem:$0x1E800] =	vst v63  }
0x59: {  	_ =	swait.ge [sflag:s14], $0x1400  }
0x5a: {  	[sflag:s14] =	ssyncset.done $0x0  }
0x5b: {  	[sflag:s14] =	ssyncadd.s32 $0xFFFFEC00  }
0x5c: {  	[tilespmem:s17], [sflag:$0x1] =	stream.indirect.gather [hbm4b:s4+s16], $0x80, s24, s16, $0xb8;
	[tilespmem:$0x1E800] =	vst v63  }
0x5d: {  	_ = 	snop  }
0x5e: {  	[tilespmem:s18], [sflag:$0x2] =	stream.indirect.gather [hbm4b:s4+s16], $0x80, s16, s16, $0xb8;
	[tilespmem:$0x1E800] =	vst v63  }
0x5f: {  	_ =	swait.ge [sflag:s19], $0x4000  }
0x60: {  	[sflag:s19] =	ssyncset.done $0x0  }
0x61: {  	s29 =	simm.s32 $0x1400;
	[sflag:s19] =	ssyncadd.s32 $0xFFFFC000  }
0x62: {  	[spmem:s2] =	stream.indirect.scatter.add.f32 [tilespmem:s17], [sflag:$0x3], $0x80, s29, s16, $0xb8;
	[tilespmem:$0x1E800] =	vst v63  }
0x63: {  	_ =	swait.ge [sflag:s14], $0x4000  }
0x64: {  	[sflag:s14] =	ssyncset.done $0x0  }
0x65: {  	s30 =	simm.s32 $0x100;
	[sflag:s14] =	ssyncadd.s32 $0xFFFFC000  }
0x66: {  	[tilespmem:s17], [sflag:$0x1] =	stream.indirect.gather [hbm4b:s4+s16], $0x80, s30, s16, $0xb8;
	[tilespmem:$0x1E800] =	vst v63  }
0x67: {  	_ =	swait.ge [sflag:s20], $0x4000  }
0x68: {  	[sflag:s20] =	ssyncset.done $0x0  }
0x69: {  	s31 =	simm.s32 $0x1480;
	[sflag:s20] =	ssyncadd.s32 $0xFFFFC000  }
0x6a: {  	[spmem:s2] =	stream.indirect.scatter.add.f32 [tilespmem:s18], [sflag:$0x3], $0x80, s31, s16, $0xb8;
	[tilespmem:$0x1E800] =	vst v63  }
0x6b: {  	_ =	swait.ge [sflag:s14], $0x4000  }
0x6c: {  	[sflag:s14] =	ssyncset.done $0x0  }
0x6d: {  	s25 =	simm.s32 $0x180;
	s24 =	simm.s32 $0x400;
	[sflag:s14] =	ssyncadd.s32 $0xFFFFC000  }
.LBB2_4:
0x6e: {  	[tilespmem:s18], [sflag:$0x2] =	stream.indirect.gather [hbm4b:s4+s16], $0x80, s25, s16, $0xb8;
	[tilespmem:$0x1E800] =	vst v63  }
0x6f: {  	s25 =	smov.u32 s24  }
0x70: {  	p0 =	sne.s32 s24, $0x4800;
	s24 =	sadd.s32 $0x400, s24;
	_ =	swait.ge [sflag:s19], $0x4000  }
0x71: {  	s25 =	sshra.s32 s25, $0x2;
	[sflag:s19] =	ssyncset.done $0x0  }
0x72: {  	s26 =	sadd.s32 $0x1400, s25;
	[sflag:s19] =	ssyncadd.s32 $0xFFFFC000  }
0x73: {  	[spmem:s2] =	stream.indirect.scatter.add.f32 [tilespmem:s17], [sflag:$0x3], $0x80, s26, s16, $0xb8;
	[tilespmem:$0x1E800] =	vst v63  }
0x74: {  	_ =	swait.ge [sflag:s14], $0x4000  }
0x75: {  	[sflag:s14] =	ssyncset.done $0x0  }
0x76: {  	s26 =	sadd.s32 $0x100, s25;
	[sflag:s14] =	ssyncadd.s32 $0xFFFFC000  }
0x77: {  	[tilespmem:s17], [sflag:$0x1] =	stream.indirect.gather [hbm4b:s4+s16], $0x80, s26, s16, $0xb8;
	[tilespmem:$0x1E800] =	vst v63  }
0x78: {  	_ =	swait.ge [sflag:s20], $0x4000  }
0x79: {  	[sflag:s20] =	ssyncset.done $0x0  }
.Ltmp1:
0x7a: {  	s26 =	sadd.s32 $0x1480, s25;
	[sflag:s20] =	ssyncadd.s32 $0xFFFFC000;
	(pc) =	sbr.rel @p0 .LBB2_4-.Ltmp1, $4  }
0x7b: {  	[spmem:s2] =	stream.indirect.scatter.add.f32 [tilespmem:s18], [sflag:$0x3], $0x80, s26, s16, $0xb8;
	[tilespmem:$0x1E800] =	vst v63  }
0x7c: {  	_ =	swait.ge [sflag:s14], $0x4000  }
0x7d: {  	[sflag:s14] =	ssyncset.done $0x0  }
0x7e: {  	s25 =	sadd.s32 $0x180, s25;
	[sflag:s14] =	ssyncadd.s32 $0xFFFFC000  }
0x7f: {  	[tilespmem:s18], [sflag:$0x2] =	stream.indirect.gather [hbm4b:s4+s16], $0x80, s25, s16, $0xb8;
	[tilespmem:$0x1E800] =	vst v63  }
0x80: {  	_ =	swait.ge [sflag:s19], $0x4000  }
0x81: {  	[sflag:s19] =	ssyncset.done $0x0  }
0x82: {  	[sflag:s19] =	ssyncadd.s32 $0xFFFFC000  }
0x83: {  	[spmem:s2] =	stream.indirect.scatter.add.f32 [tilespmem:s17], [sflag:$0x3], $0x80, s21, s16, $0xb8;
	[tilespmem:$0x1E800] =	vst v63  }
0x84: {  	_ =	swait.ge [sflag:s14], $0x4000  }
0x85: {  	[sflag:s14] =	ssyncset.done $0x0  }
0x86: {  	[sflag:s14] =	ssyncadd.s32 $0xFFFFC000  }
0x87: {  	_ =	swait.ge [sflag:s20], $0x4000  }
0x88: {  	[sflag:s20] =	ssyncset.done $0x0  }
0x89: {  	[sflag:s20] =	ssyncadd.s32 $0xFFFFC000  }
0x8a: {  	[spmem:s2] =	stream.indirect.scatter.add.f32 [tilespmem:s18], [sflag:$0x3], $0x80, s22, s16, $0xb8;
	[tilespmem:$0x1E800] =	vst v63  }
0x8b: {  	_ =	swait.ge [sflag:s14], $0x4000  }
0x8c: {  	s23 =	sadd.s32 $0x1, s23;
	[sflag:s14] =	ssyncset.done $0x0  }
0x8d: {  	p0 =	sne.s32 s23, s12;
	[sflag:s14] =	ssyncadd.s32 $0xFFFFC000  }
.Ltmp2:
0x8e: {  	[bflag:$0x0] =	sbarrier.arrive $0xFFFF;
	(pc) =	sbr.rel @p0 .LBB2_1-.Ltmp2, $4  }
0x8f: {  	[hbm:s11], [sflag:s6] =	dma.local [spmem:s13], $0x2800  }
0x90: {  	_ =	swait.ge [sflag:s14], $0x2800  }
0x91: {  	[sflag:s14] =	ssyncset.done $0x0  }
0x92: {  	[sflag:s14] =	ssyncadd.s32 $0xFFFFD800  }
0x93: {  	_ =	sfence.sel $0x180000  }
0x94: {  	[bflag:$0x0] =	sbarrier.arrive $0xFFFF  }
0x95: {  	p0 =	sne.s32 s1, $0x0;
	_ =	strace $0x9000004D  }
0x96: {  	s0 =	sadd.s32 @!p0 $0x100000, s0;
	[bflag:$0x2] =	sbarrier.arrive $0xFFFF  }
0x97: {  	[sflag:s0] =	ssyncadd.tile.s32 @!p0 $0x1;
	_ =	shalt  }
.Lfunc_end2:
_tile_overlayer_lowered:
.L_overlay_start_2:
0x98: {  	(tag) =	ssettag $0x2  }
0x99: {  	s0 =	rddreg [dreg:$0x0];
	s2 =	stileid.u32  }
0x9a: {  	s1 =	rddreg [dreg:$0x1];
	p0 =	sne.s32 s2, $0x0  }
0x9b: {  	s3 =	rddreg [dreg:$0x2];
	[bflag:$0x3] =	sbarrier.arrive $0xFFFF;
	s2 =	simm.s32 @!p0 $0x1C03  }
0x9c: {  	[timem:s3], [sflag:s2] =	dma.local @!p0 [hbm:s0], s1  }
0x9d: {  	s0 =	simm.s32 @!p0 $0x3  }
0x9e: {  	_ =	swait.ge @!p0 [sflag:s0], s1  }
0x9f: {  	s1 =	ssub.s32 @!p0 $0x0, s1;
	[sflag:s0] =	ssyncset.done @!p0 $0x0  }
0xa0: {  	[sflag:s0] =	ssyncadd.s32 @!p0 s1  }
0xa1: {  	[bflag:$0x3] =	sbarrier.arrive $0xFFFF  }
0xa2: {  	_ =	shalt  }

// kernel: kernel.8.cloned.1.call-start
scs
__scs_entry_jumppad:
0x0: {  	(pc) =	sbr.rel $0x88, $3  }
0x1: {  	(tag) =	ssettag $0x0;
	lr =	simm.s32 $0x1  }
0x2: {  	[smem:$0x3F99] =	sst lr;
	_ =	strace $0xD0000000  }
0x3: {  	_ = 	snop  }
0x4: {  	_ = 	snop  }
0x5: {  	_ = 	snop  }
0x6: {  	_ = 	snop  }
0x7: {  	_ = 	snop  }
__scs_overlays_trampoline_lowered:
0x8: {  	[smem:$0x3FA8] =	sst s0  }
0x9: {  	[smem:$0x3FA9] =	sst s1  }
0xa: {  	[smem:$0x3FAA] =	sst s2  }
0xb: {  	[smem:$0x3FAB] =	sst s3  }
0xc: {  	[smem:$0x3FAC] =	sst s4  }
0xd: {  	[smem:$0x3FAD] =	sst s5  }
0xe: {  	[smem:$0x3FAE] =	sst s6  }
0xf: {  	[smem:$0x3FAF] =	sst s7  }
0x10: {  	[smem:$0x3FB0] =	sst s8  }
0x11: {  	[smem:$0x3FB1] =	sst s9;
	s0 =	simm.s32 @!p0 $0x0  }
0x12: {  	s1 =	sld [smem:$0x3F97];
	s0 =	simm.s32 @p0 $0x1  }
0x13: {  	[smem:$0x3FB2] =	sst s0;
	s0 =	simm.s32 @!p1 $0x0  }
0x14: {  	s2 =	sld [smem:$0x3F96];
	s0 =	simm.s32 @p1 $0x1  }
0x15: {  	[smem:$0x3FB3] =	sst s0;
	s0 =	simm.s32 @!p2 $0x0  }
0x16: {  	s3 =	sld [smem:$0x3FDB];
	s0 =	simm.s32 @p2 $0x1  }
0x17: {  	s4 =	simm.s32 $0x1BF5;
	[smem:$0x3FB5] =	sst s0  }
0x18: {  	s0 =	sld [smem:$0x3F98];
	_ =	swait.ge [sflag:s4], $0x0  }
0x19: {  	s7 =	sld [smem:$0x3F99]  }
0x1a: {  	s8 =	sadd.s32 $0xFFFFE003, lr  }
0x1b: {  	s9 =	sadd.s32 $0xFFFFFEF7, lr;
	s5 =	simm.s32 $0xFFFFFFFF;
	p2 =	slt.u32 s8, $0xFFFFF086  }
0x1c: {  	p1 =	slt.u32 s9, $0xF7A;
	s5 =	simm.s32 @!p2 $0x0  }
0x1d: {  	s5 =	simm.s32 @p1 $0x1;
	p0 =	seq.s32 s7, s2  }
0x1e: {  	s7 =	smul.u32 @!p0 $0xF7A, s2;
	p2 =	seq.s32 @!p0 s5, $0x0  }
0x1f: {  	s9 =	smul.u32 $0xF7A, s1;
	s8 =	simm.s32 @!p0 $0x1BF5;
	p2 =	por !p2, p0  }
0x20: {  	[sflag:s8] =	ssyncset.s32 @!p0 $0xFFFFF086;
	s6 =	sadd.s32 @!p0 s3, s7;
	s7 =	simm.s32 @!p0 $0x108  }
0x21: {  	s3 =	sadd.s32 s3, s9;
	s6 =	sadd.s32 @!p0 $0x88, s6;
	s7 =	simm.s32 @p2 $0x1082  }
0x22: {  	[simem:s7], [sflag:s8] =	dma.local @!p0 [hbm:s6], $0xF7A  }
0x23: {  	s9 =	sor.u32 $0xD0000000, s2;
	s6 =	simm.s32 $0x108;
	_ =	swait.ge @!p0 [sflag:s8], $0x0  }
0x24: {  	s3 =	sadd.s32 $0x88, s3;
	s6 =	simm.s32 @!p1 $0x1082;
	[sflag:s4] =	ssyncset.s32 $0xFFFFF086  }
0x25: {  	[simem:s6], [sflag:s4] =	dma.local [hbm:s3], $0xF7A  }
0x26: {  	[smem:$0x3F99] =	sst s1;
	(tag) =	ssettag s2;
	_ =	strace s9  }
0x27: {  	s1 =	sld [smem:$0x3FA9]  }
0x28: {  	s2 =	sld [smem:$0x3FAA]  }
0x29: {  	s4 =	sld [smem:$0x3FAC]  }
0x2a: {  	p0 =	seq.s32 s5, $0x0;
	s5 =	sld [smem:$0x3FAD]  }
0x2b: {  	s6 =	sld [smem:$0x3FAE]  }
0x2c: {  	s7 =	sld [smem:$0x3FAF]  }
0x2d: {  	s3 =	simm.s32 $0x108;
	s8 =	sld [smem:$0x3FB0]  }
0x2e: {  	s3 =	simm.s32 @!p0 $0x1082;
	s9 =	sld [smem:$0x3FB1]  }
0x2f: {  	lr =	sadd.s32 s0, s3;
	s0 =	sld [smem:$0x3FA8]  }
0x30: {  	s3 =	sld [smem:$0x3FAB]  }
0x31: {  	[smem:$0x3FB4] =	sst s10  }
0x32: {  	s10 =	sld [smem:$0x3FB2];
	_ =	sdelay $0x3  }
0x33: {  	p0 =	seq.s32 s10, $0x1;
	s10 =	sld [smem:$0x3FB4];
	_ =	sdelay $0x3  }
0x34: {  	[smem:$0x3FB4] =	sst s10  }
0x35: {  	s10 =	sld [smem:$0x3FB3];
	_ =	sdelay $0x3  }
0x36: {  	p1 =	seq.s32 s10, $0x1;
	s10 =	sld [smem:$0x3FB4];
	_ =	sdelay $0x3  }
0x37: {  	[smem:$0x3FB4] =	sst s10  }
0x38: {  	s10 =	sld [smem:$0x3FB5]  }
0x39: {  	_ = 	snop;
	(pc) =	sbr.ind lr, $3  }
0x3a: {  	_ = 	snop  }
0x3b: {  	_ = 	snop  }
0x3c: {  	p2 =	seq.s32 s10, $0x1;
	s10 =	sld [smem:$0x3FB4]  }
0x3d: {  	_ =	shalt  }
0x3e: {  	_ =	shalt  }
0x3f: {  	_ =	shalt  }
0x40: {  	_ =	shalt  }
0x41: {  	_ =	shalt  }
0x42: {  	_ =	shalt  }
0x43: {  	_ =	shalt  }
0x44: {  	_ =	shalt  }
0x45: {  	_ =	shalt  }
0x46: {  	_ =	shalt  }
0x47: {  	_ =	shalt  }
0x48: {  	_ =	shalt  }
0x49: {  	_ =	shalt  }
0x4a: {  	_ =	shalt  }
0x4b: {  	_ =	shalt  }
0x4c: {  	_ =	shalt  }
0x4d: {  	_ =	shalt  }
0x4e: {  	_ =	shalt  }
0x4f: {  	_ =	shalt  }
0x50: {  	_ =	shalt  }
0x51: {  	_ =	shalt  }
0x52: {  	_ =	shalt  }
0x53: {  	_ =	shalt  }
0x54: {  	_ =	shalt  }
0x55: {  	_ =	shalt  }
0x56: {  	_ =	shalt  }
0x57: {  	_ =	shalt  }
0x58: {  	_ =	shalt  }
0x59: {  	_ =	shalt  }
0x5a: {  	_ =	shalt  }
0x5b: {  	_ =	shalt  }
0x5c: {  	_ =	shalt  }
0x5d: {  	_ =	shalt  }
0x5e: {  	_ =	shalt  }
0x5f: {  	_ =	shalt  }
0x60: {  	_ =	shalt  }
0x61: {  	_ =	shalt  }
0x62: {  	_ =	shalt  }
0x63: {  	_ =	shalt  }
0x64: {  	_ =	shalt  }
0x65: {  	_ =	shalt  }
0x66: {  	_ =	shalt  }
0x67: {  	_ =	shalt  }
0x68: {  	_ =	shalt  }
0x69: {  	_ =	shalt  }
0x6a: {  	_ =	shalt  }
0x6b: {  	_ =	shalt  }
0x6c: {  	_ =	shalt  }
0x6d: {  	_ =	shalt  }
0x6e: {  	_ =	shalt  }
0x6f: {  	_ =	shalt  }
0x70: {  	_ =	shalt  }
0x71: {  	_ =	shalt  }
0x72: {  	_ =	shalt  }
0x73: {  	_ =	shalt  }
0x74: {  	_ =	shalt  }
0x75: {  	_ =	shalt  }
0x76: {  	_ =	shalt  }
0x77: {  	_ =	shalt  }
0x78: {  	_ =	shalt  }
0x79: {  	_ =	shalt  }
0x7a: {  	_ =	shalt  }
0x7b: {  	_ =	shalt  }
0x7c: {  	_ =	shalt  }
0x7d: {  	_ =	shalt  }
0x7e: {  	_ =	shalt  }
0x7f: {  	_ =	shalt  }
0x80: {  	_ =	shalt  }
0x81: {  	_ =	shalt  }
0x82: {  	_ =	shalt  }
0x83: {  	_ =	shalt  }
0x84: {  	_ =	shalt  }
0x85: {  	_ =	shalt  }
0x86: {  	_ =	shalt  }
0x87: {  	_ =	shalt  }
.Lfunc_end0:
.L_simem_size_0:
called_computation_lowered:
.L_overlay_start_0:
0x88: {  	s2 =	sld [smem:$0x3FD9]  }
0x89: {  	s3 =	sld [smem:$0x3FFE];
	_ =	sdelay $0x1  }
0x8a: {  	s1 =	srdreg.scid  }
0x8b: {  	s0 =	sand.u32 $0x1, s1  }
0x8c: {  	s14 =	sshll.u32 s0, $0xA;
	s2 =	sadd.s32 s3, s2  }
0x8d: {  	s2 =	sadd.s32 s2, s14  }
0x8e: {  	[smem:$0x3FC0] =	sst s2  }
0x8f: {  	_ = 	snop  }
0x90: {  	s2 =	sld [smem:$0x3FD0];
	_ =	sdelay $0x2  }
0x91: {  	s15 =	simm.s32 $0xA;
	s4 =	simm.s32 $0x10  }
0x92: {  	[smem:s4], [sflag:s15] =	dma.local [hbm:s2], $0x1  }
0x93: {  	_ =	swait.eq [sflag:s15], $0x1  }
0x94: {  	[sflag:s15] =	ssyncset.done $0x0  }
0x95: {  	[sflag:s15] =	ssyncadd.s32 $0xFFFFFFFF  }
0x96: {  	s16 =	sld [smem:$0x11];
	(tm) =	ssettm $0x1  }
0x97: {  	s17 =	sld [smem:$0x3FFB];
	_ =	sdelay $0x3  }
0x98: {  	_ =	strace s17  }
0x99: {  	s3 =	sld [smem:$0x3FFC];
	_ =	sdelay $0x3  }
0x9a: {  	_ =	strace s3  }
0x9b: {  	s3 =	sld [smem:$0x3FFD];
	_ =	sdelay $0x3  }
0x9c: {  	_ =	strace s3  }
0x9d: {  	_ =	strace $0x8FFFFFFF  }
0x9e: {  	s18 =	sld [smem:$0x3FDB];
	_ =	sdelay $0x1  }
0x9f: {  	s19 =	simm.s32 $_scs_section_size  }
0xa0: {  	s5 =	simm.s32 $_size__tile_overlayer_lowered;
	s6 =	simm.s32 $_tile_overlayer_lowered  }
0xa1: {  	s22 =	simm.s32 $0x1BFF;
	s21 =	sshll.u32 s6, $0x1;
	s3 =	sadd.s32 s19, s18  }
0xa2: {  	s7 =	simm.s32 $0x0;
	s20 =	sshll.u32 s5, $0x1;
	s5 =	sadd.s32 s21, s3  }
0xa3: {  	[timem:s7], [sflag:s22] =	dma.local [hbm:s5], s20  }
0xa4: {  	_ =	swait.ge [sflag:s22], s20  }
0xa5: {  	s4 =	ssub.s32 $0x0, s20;
	[sflag:s22] =	ssyncset.done $0x0  }
0xa6: {  	[sflag:s22] =	ssyncadd.s32 s4;
	_ =	sdelay $0x1  }
0xa7: {  	s23 =	simm.s32 $0x1B8B  }
0xa8: {  	_ =	swait.ge [sflag:s23], $0x1  }
0xa9: {  	[sflag:s23] =	ssyncset.done $0x0  }
0xaa: {  	s25 =	simm.s32 $0x1B8E;
	s24 =	sld [smem:$0x3FFE];
	[sflag:s23] =	ssyncadd.s32 $0xFFFFFFFF  }
0xab: {  	s26 =	simm.s32 $execute0_lowered;
	[smem:$0x3FD2] =	sst s25  }
0xac: {  	s5 =	sshll.u32 s26, $0x1;
	_ =	strace $0x80000046;
	[dreg:$0x1] =	wrdreg $0xFFFFFFFF  }
0xad: {  	s28 =	simm.s32 $_size_execute0_lowered;
	s3 =	sadd.s32 s3, s5;
	[dreg:$0x0] =	wrdreg $0x0  }
0xae: {  	s5 =	sshll.u32 s28, $0x1;
	[dreg:$0x2] =	wrdreg s3  }
0xaf: {  	[dreg:$0x3] =	wrdreg s5  }
0xb0: {  	[dreg:$0x4] =	wrdreg $0xC0  }
0xb1: {  	_ =	task [dreg:s7], $0x5FFFF  }
0xb2: {  	[dreg:$0x1] =	wrdreg $0xFFFFFFFF  }
0xb3: {  	[dreg:$0x0] =	wrdreg $0x60  }
0xb4: {  	[dreg:$0x2] =	wrdreg s16  }
0xb5: {  	[dreg:$0x3] =	wrdreg s24  }
0xb6: {  	[dreg:$0x4] =	wrdreg $0x68000  }
0xb7: {  	[dreg:$0x5] =	wrdreg $0x9  }
0xb8: {  	_ =	task.clear_ibuf [dreg:s7], $0x6FFFF;
	_ =	strace $0x90000046  }
0xb9: {  	s29 =	simm.s32 $0x9;
	_ =	strace $0x80000048  }
0xba: {  	_ =	swait.ge [sflag:s29], $0x1  }
0xbb: {  	[sflag:s29] =	ssyncadd.s32 $0xFFFFFFFF  }
0xbc: {  	_ =	strace $0x90000048  }
0xbd: {  	_ =	sfence  }
0xbe: {  	s30 =	sld [smem:$0x0];
	_ =	sdelay $0x2  }
0xbf: {  	s31 =	sshll.u32 s1, $0xD;
	s1 =	sshrl.u32 s1, $0x2  }
0xc0: {  	s3 =	sand.u32 $0x4000, s31;
	s1 =	sadd.s32 s1, s30  }
0xc1: {  	s0 =	sor.u32 s3, s0;
	s1 =	sshll.u32 s1, $0x11  }
0xc2: {  	s0 =	sor.u32 s1, s0  }
0xc3: {  	s0 =	sadd.s32 $0x8F2B, s0  }
0xc4: {  	[sflag:s0] =	ssyncadd.remote.s32 $0x1  }
0xc5: {  	_ =	sfence.sel $0xFFFF  }
0xc6: {  	[dreg:$0x0] =	wrdreg $0xFFFFFFFF;
	(pc) =	sbr.abs _section_cstart, $3  }
0xc7: {  	[dreg:$0x1] =	wrdreg $0xFFFFFFFF  }
0xc8: {  	_ =	task.clear_ibuf [dreg:s7], $0x2FFFF;
	_ =	strace $0x9FFFFFFF  }
0xc9: {  	(tm) =	ssettm $0x7FFFFFFF  }
tec
execute0_lowered:
.L_overlay_start_1:
0x0: {  	(tag) =	ssettag $0x1  }
0x1: {  	s7 =	rddreg [dreg:$0x0]  }
0x2: {  	s5 =	rddreg [dreg:$0x1];
	s0 =	stileid.u32  }
0x3: {  	s1 =	srdreg.scid;
	s2 =	rddreg [dreg:$0x2]  }
0x4: {  	s3 =	simm.s32 $0x0;
	s13 =	simm.s32 $0x80;
	s14 =	simm.s32 $0x0  }
0x5: {  	s4 =	smul.u32 $0x14000, s0;
	s6 =	sand.u32 $0x1, s1;
	s1 =	rddreg [dreg:$0x3]  }
0x6: {  	[smem:$0x7FF] =	sst s3;
	s11 =	smul.u32 $0x50000, s0;
	s12 =	sshll.u32 s0, $0x1  }
0x7: {  	s31 =	sshll.u32 s0, $0x6;
	s8 =	smul.u32 $0x140000, s6;
	_ =	strace $0x80000047  }
0x8: {  	s10 =	ssub.s32 $0x2, s6;
	s6 =	sor.u32 s6, s12;
	s12 =	simm.s32 $0x2800  }
0x9: {  	s9 =	sshrl.u32 s4, $0x3;
	s26 =	sshrl.u32 s10, $0x1;
	s28 =	sshrl.u32 s11, $0x2  }
0xa: {  	s29 =	smul.u32 $0x500, s6;
	s6 =	sor.u32 $0x1C01, s31;
	s11 =	simm.s32 $0x1  }
0xb: {  	s8 =	sadd.s32 s4, s8;
	s4 =	sadd.s32 $0x2AC00, s5;
	s9 =	sadd.s32 s9, s5  }
0xc: {  	s10 =	ssub.s32 s10, s26;
	s30 =	sadd.s32 s28, s2;
	s8 =	sshrl.u32 s8, $0x3  }
0xd: {  	s7 =	sadd.s32 s7, s29;
	s8 =	sadd.s32 s8, s5;
	s5 =	sadd.s32 $0x2C00, s9  }
0xe: {  	s9 =	smax.u32 s10, $0x1;
	s10 =	sshrl.u32 s30, $0x3;
	s8 =	sadd.s32 $0x2B400, s8  }
.LBB2_1:
0xf: {  	[spmem:s10], [sflag:s6] =	dma.local [hbm:s5], $0x2800  }
0x10: {  	_ =	swait.ge [sflag:s11], $0x2800  }
0x11: {  	[sflag:s11] =	ssyncset.done $0x0  }
0x12: {  	[sflag:s11] =	ssyncadd.s32 $0xFFFFD800  }
0x13: {  	[tilespmem:s12], [sflag:$0x1] =	stream.linear.gather [hbm4b:s4+s3], $0x4000, $0x38;
	[tilespmem:$0x1A800] =	vst v63  }
0x14: {  	_ =	swait.ge [sflag:s11], $0x4000  }
0x15: {  	[sflag:s11] =	ssyncset.done $0x0  }
0x16: {  	[sflag:s11] =	ssyncadd.s32 $0xFFFFC000  }
0x17: {  	[tilespmem:s3], [sflag:$0x1] =	stream.linear.gather [hbm4b:s7+s3], $0x2800, $0x38;
	[tilespmem:$0x1A800] =	vst v63  }
0x18: {  	_ =	swait.ge [sflag:s11], $0x2800  }
0x19: {  	[sflag:s11] =	ssyncset.done $0x0  }
0x1a: {  	[sflag:s11] =	ssyncadd.s32 $0xFFFFD800  }
0x1b: {  	s15 =	simm.s32 $0x0;
	[bflag:$0x0] =	sbarrier.arrive $0xFFFF  }
0x1c: {  	[spmem:s2] =	stream.indirect.scatter.add.f32 [tilespmem:s12], [sflag:$0x1], $0x80, s15, s13, $0xb8;
	[tilespmem:$0x1A800] =	vst v63  }
0x1d: {  	_ =	swait.ge [sflag:s11], $0x4000  }
0x1e: {  	s15 =	simm.s32 $0x200;
	[sflag:s11] =	ssyncset.done $0x0  }
.LBB2_2:
0x1f: {  	s16 =	sshra.s32 s15, $0x2;
	[sflag:s11] =	ssyncadd.s32 $0xFFFFC000;
	p0 =	sne.s32 s15, $0x9E00  }
0x20: {  	[spmem:s2] =	stream.indirect.scatter.add.f32 [tilespmem:s12], [sflag:$0x1], $0x80, s16, s13, $0xb8;
	[tilespmem:$0x1A800] =	vst v63  }
.Ltmp0:
0x21: {  	_ = 	snop;
	(pc) =	sbr.rel @p0 .LBB2_2-.Ltmp0, $4  }
0x22: {  	_ = 	snop  }
0x23: {  	s15 =	sadd.s32 $0x200, s15  }
0x24: {  	_ =	swait.ge [sflag:s11], $0x4000  }
0x25: {  	[sflag:s11] =	ssyncset.done $0x0  }
0x26: {  	s14 =	sadd.s32 $0x1, s14  }
0x27: {  	[sflag:s11] =	ssyncadd.s32 $0xFFFFC000;
	p0 =	sne.s32 s14, s9  }
.Ltmp1:
0x28: {  	[bflag:$0x0] =	sbarrier.arrive $0xFFFF;
	(pc) =	sbr.rel @p0 .LBB2_1-.Ltmp1, $4  }
0x29: {  	[hbm:s8], [sflag:s6] =	dma.local [spmem:s10], $0x2800  }
0x2a: {  	_ =	swait.ge [sflag:s11], $0x2800  }
0x2b: {  	[sflag:s11] =	ssyncset.done $0x0  }
0x2c: {  	[sflag:s11] =	ssyncadd.s32 $0xFFFFD800  }
0x2d: {  	_ =	sfence.sel $0x180000  }
0x2e: {  	[bflag:$0x0] =	sbarrier.arrive $0xFFFF  }
0x2f: {  	p0 =	sne.s32 s0, $0x0;
	_ =	strace $0x90000047  }
0x30: {  	s0 =	sadd.s32 @!p0 $0x100000, s1;
	[bflag:$0x2] =	sbarrier.arrive $0xFFFF  }
0x31: {  	[sflag:s0] =	ssyncadd.tile.s32 @!p0 $0x1;
	_ =	shalt  }
.Lfunc_end2:
_tile_overlayer_lowered:
.L_overlay_start_2:
0x32: {  	(tag) =	ssettag $0x2  }
0x33: {  	s0 =	rddreg [dreg:$0x0];
	s2 =	stileid.u32  }
0x34: {  	s1 =	rddreg [dreg:$0x1];
	p0 =	sne.s32 s2, $0x0  }
0x35: {  	s3 =	rddreg [dreg:$0x2];
	[bflag:$0x3] =	sbarrier.arrive $0xFFFF;
	s2 =	simm.s32 @!p0 $0x1C01  }
0x36: {  	[timem:s3], [sflag:s2] =	dma.local @!p0 [hbm:s0], s1  }
0x37: {  	s0 =	simm.s32 @!p0 $0x1  }
0x38: {  	_ =	swait.ge @!p0 [sflag:s0], s1  }
0x39: {  	s1 =	ssub.s32 @!p0 $0x0, s1;
	[sflag:s0] =	ssyncset.done @!p0 $0x0  }
0x3a: {  	[sflag:s0] =	ssyncadd.s32 @!p0 s1  }
0x3b: {  	[bflag:$0x3] =	sbarrier.arrive $0xFFFF  }
0x3c: {  	_ =	shalt  }

</sc_bundles>
